<compile_context>
chip_gen: v7x
topology: tpu7x:2x2x1
jax: 0.10.2.dev20260603
libtpu: 0.0.44.dev20260713+nightly
codegen_flags: <defaults>
</compile_context>

<pallas_src>
import functools

import jax
import jax.numpy as jnp
from jax import lax
from jax.experimental import pallas as pl
from jax.experimental.pallas import tpu as pltpu
from jax.experimental.pallas import tpu_sc as plsc

_NC = 2
_NS = 16
_NW = _NC * _NS
_LANES = 16


def _pool_body(b_per_w, S, E, C0, text_hbm, table_hbm, out_hbm,
               idx_v, buf0_v, buf1_v, buf2_v, buf3_v, pooled_v,
               sem0, sem1, sem2, sem3):
    wid = lax.axis_index("s") * _NC + lax.axis_index("c")
    base = wid * b_per_w
    C1 = S - C0
    ngrp = E // _LANES

    pltpu.sync_copy(text_hbm.at[pl.ds(base, b_per_w), :], idx_v)

    def issue(i, buf, sem):
        h0 = pltpu.async_copy(
            table_hbm.at[idx_v.at[i, pl.ds(0, C0)]],
            buf.at[pl.ds(0, C0), :], sem)
        h1 = pltpu.async_copy(
            table_hbm.at[idx_v.at[i, pl.ds(C0, C1)]],
            buf.at[pl.ds(C0, C1), :], sem)
        return h0, h1

    def reduce_into(buf, i):
        def acc_body(s, accs):
            return tuple(a + buf[s, pl.ds(_LANES * j, _LANES)]
                         for j, a in enumerate(accs))

        accs = lax.fori_loop(
            0, S, acc_body,
            tuple(jnp.zeros((_LANES,), jnp.float32) for _ in range(ngrp)),
            unroll=4)
        for j in range(ngrp):
            pooled_v[i, pl.ds(_LANES * j, _LANES)] = accs[j]

    bufs = (buf0_v, buf1_v, buf2_v, buf3_v)
    sems = (sem0, sem1, sem2, sem3)

    def quad(g, carry):
        i0 = 4 * g
        handles = [issue(i0 + k, bufs[k], sems[k]) for k in range(4)]
        for k in range(4):
            handles[k][0].wait()
            handles[k][1].wait()
            reduce_into(bufs[k], i0 + k)
        return carry

    lax.fori_loop(0, b_per_w // 4, quad, 0)
    pltpu.sync_copy(pooled_v, out_hbm.at[pl.ds(base, b_per_w), :])


def _mlp_body(x_ref, w1_ref, b1_ref, w2_ref, b2_ref, o_ref):
    h = jnp.tanh(
        jnp.dot(x_ref[...], w1_ref[...], preferred_element_type=jnp.float32)
        + b1_ref[...])
    o_ref[...] = (
        jnp.dot(h, w2_ref[...], preferred_element_type=jnp.float32)
        + b2_ref[...])


def kernel(text, embed_table, W1, b1, W2, b2):
    B, S = text.shape
    V, E = embed_table.shape
    HID = W1.shape[1]
    NCLS = W2.shape[1]
    assert B % _NW == 0 and E % _LANES == 0 and (B // _NW) % 4 == 0
    b_per_w = B // _NW
    C0 = min(120, S)

    mesh = plsc.VectorSubcoreMesh(
        core_axis_name="c", subcore_axis_name="s",
        num_cores=_NC, num_subcores=_NS)

    pool = pl.kernel(
        functools.partial(_pool_body, b_per_w, S, E, C0),
        out_type=jax.ShapeDtypeStruct((B, E), jnp.float32),
        mesh=mesh,
        scratch_types=[
            pltpu.VMEM((b_per_w, S), jnp.int32),
            pltpu.VMEM((S, E), jnp.float32),
            pltpu.VMEM((S, E), jnp.float32),
            pltpu.VMEM((S, E), jnp.float32),
            pltpu.VMEM((S, E), jnp.float32),
            pltpu.VMEM((b_per_w, E), jnp.float32),
            pltpu.SemaphoreType.DMA,
            pltpu.SemaphoreType.DMA,
            pltpu.SemaphoreType.DMA,
            pltpu.SemaphoreType.DMA,
        ],
        compiler_params=pltpu.CompilerParams(use_tc_tiling_on_sc=False),
    )
    summed = pool(text.astype(jnp.int32), embed_table)

    w1s = (W1 / S).astype(jnp.float32)
    logits = pl.pallas_call(
        _mlp_body,
        out_shape=jax.ShapeDtypeStruct((B, NCLS), jnp.float32),
    )(summed, w1s, b1.reshape(1, HID), W2, b2.reshape(1, NCLS))
    return logits

# --- scband reference (transcript-rebuilt; emitter-appended) ---
"""Pipeline reference for scband-bo-wclassifier-46385646796850 (READ-ONLY COPY).

The authoritative reference and input builder live on the scoring server;
editing this copy changes nothing except your own understanding.
"""

import jax, jax.numpy as jnp
import numpy as np

VOCAB = 1000000
EMB = 64
HID = 128
NCLS = 2
BATCH = 4096
SEQ = 200


def setup_inputs(seed: int = 0) -> dict:
    key = jax.random.key(seed)
    k_text, k_emb, k_w1, k_b1, k_w2, k_b2 = jax.random.split(key, 6)
    text = jax.random.randint(k_text, (BATCH, SEQ), 0, VOCAB, dtype=jnp.int64 if jax.config.jax_enable_x64 else jnp.int32)
    embed_table = jax.random.normal(k_emb, (VOCAB, EMB), dtype=jnp.float32)
    # nn.Linear default init scale ~ U(-1/sqrt(fan_in), 1/sqrt(fan_in)); use normal scaled for simplicity
    W1 = jax.random.normal(k_w1, (EMB, HID), dtype=jnp.float32) * (1.0 / np.sqrt(EMB))
    b1 = jax.random.normal(k_b1, (HID,), dtype=jnp.float32) * 0.01
    W2 = jax.random.normal(k_w2, (HID, NCLS), dtype=jnp.float32) * (1.0 / np.sqrt(HID))
    b2 = jax.random.normal(k_b2, (NCLS,), dtype=jnp.float32) * 0.01
    return {"text": text, "embed_table": embed_table, "W1": W1, "b1": b1, "W2": W2, "b2": b2}


def reference(text, embed_table, W1, b1, W2, b2):
    # embedding lookup: [B, S, E]
    embed = jnp.take(embed_table, text, axis=0)
    # mean pool over sequence -> [B, E]
    pooled = jnp.mean(embed, axis=1)
    # fc1 + tanh
    out = jnp.tanh(pooled @ W1 + b1)
    # dropout is identity in eval mode
    logits = out @ W2 + b2
    return logits

if __name__ == "__main__":
    import jax
    _d = setup_inputs()
    print(jax.jit(kernel)(*tuple(_d.values())))

</pallas_src>

<mosaic_0001>
#map = affine_map<(d0, d1) -> (0, 0)>
module attributes {stable_mosaic.version = 14 : i64} {
  func.func @_pool_body(%arg0: i32, %arg1: i32, %arg2: memref<4096x200xi32, #tpu.memory_space<hbm>>, %arg3: memref<1000000x64xf32, #tpu.memory_space<hbm>>, %arg4: memref<4096x64xf32, #tpu.memory_space<hbm>>, %arg5: memref<128x200xi32, #tpu.memory_space<vmem>>, %arg6: memref<200x64xf32, #tpu.memory_space<vmem>>, %arg7: memref<200x64xf32, #tpu.memory_space<vmem>>, %arg8: memref<200x64xf32, #tpu.memory_space<vmem>>, %arg9: memref<200x64xf32, #tpu.memory_space<vmem>>, %arg10: memref<128x64xf32, #tpu.memory_space<vmem>>, %arg11: memref<!tpu.dma_semaphore, #tpu.memory_space<semaphore_mem>>, %arg12: memref<!tpu.dma_semaphore, #tpu.memory_space<semaphore_mem>>, %arg13: memref<!tpu.dma_semaphore, #tpu.memory_space<semaphore_mem>>, %arg14: memref<!tpu.dma_semaphore, #tpu.memory_space<semaphore_mem>>) attributes {dimension_semantics = [#tpu.dimension_semantics<core_parallel>, #tpu.dimension_semantics<subcore_parallel>], iteration_bounds = array<i64: 2, 16>, scalar_prefetch = 0 : i64, scratch_operands = 10 : i64, tpu.core_type = #tpu.core_type<sc_vector_subcore>, window_params = [{transform_indices = #map}, {transform_indices = #map}, {transform_indices = #map}]} {
    %mul3A = arith.constant 2 : i32
    %mul3A_0 = arith.muli %arg1, %mul3A : i32
    %add3A = arith.addi %mul3A_0, %arg0 : i32
    %mul3A_1 = arith.constant 128 : i32
    %mul3A_2 = arith.muli %add3A, %mul3A_1 : i32
    "tpu.region"() ({
      %run_scoped3A = tpu.sem_alloc : memref<!tpu.dma_semaphore, #tpu.memory_space<semaphore_mem>>
      %dma_start3A = arith.constant 0 : i32
      %dma_start3A_8 = tpu.memref_slice %arg2[%mul3A_2, %dma_start3A] : memref<4096x200xi32, #tpu.memory_space<hbm>> -> memref<128x200xi32, #tpu.memory_space<hbm>>
      %dma_start3A_9 = arith.constant 0 : i32
      %dma_start3A_10 = tpu.memref_slice %arg2[%mul3A_2, %dma_start3A_9] : memref<4096x200xi32, #tpu.memory_space<hbm>> -> memref<128x200xi32, #tpu.memory_space<hbm>>
      tpu.enqueue_dma source(%dma_start3A_10 : memref<128x200xi32, #tpu.memory_space<hbm>>) target(%arg5 : memref<128x200xi32, #tpu.memory_space<vmem>>) target_semaphore(%run_scoped3A : memref<!tpu.dma_semaphore, #tpu.memory_space<semaphore_mem>>)
      %dma_wait3A = arith.constant 0 : i32
      %dma_wait3A_11 = tpu.memref_slice %arg2[%mul3A_2, %dma_wait3A] : memref<4096x200xi32, #tpu.memory_space<hbm>> -> memref<128x200xi32, #tpu.memory_space<hbm>>
      %dma_wait3A_12 = arith.constant 0 : i32
      %dma_wait3A_13 = tpu.memref_slice %arg2[%mul3A_2, %dma_wait3A_12] : memref<4096x200xi32, #tpu.memory_space<hbm>> -> memref<128x200xi32, #tpu.memory_space<hbm>>
      tpu.wait_dma2 semaphore(%run_scoped3A : memref<!tpu.dma_semaphore, #tpu.memory_space<semaphore_mem>>) src(%dma_wait3A_13 : memref<128x200xi32, #tpu.memory_space<hbm>>) dst(%arg5 : memref<128x200xi32, #tpu.memory_space<vmem>>)
      tpu.yield
    }) : () -> ()
    %scan3A = arith.constant 0 : i32
    %scan3A_3 = arith.constant 0 : i32
    %scan3A_4 = arith.constant 32 : i32
    %scan3A_5 = arith.addi %scan3A_3, %scan3A_4 : i32
    %scan3A_6 = arith.constant 1 : i32
    scf.for %scan3A_8 = %scan3A_3 to %scan3A_5 step %scan3A_6  : i32 {
      %mul3A_9 = arith.constant 4 : i32
      %mul3A_10 = arith.muli %mul3A_9, %scan3A_8 : i32
      %add3A_11 = arith.constant 0 : i32
      %add3A_12 = arith.addi %mul3A_10, %add3A_11 : i32
      %dma_start3A = arith.constant 0 : i32
      %dma_start3A_13 = arith.constant 0 : i32
      %dma_start3A_14 = tpu.memref_slice %arg6[%dma_start3A, %dma_start3A_13] : memref<200x64xf32, #tpu.memory_space<vmem>> -> memref<120x64xf32, #tpu.memory_space<vmem>>
      %dma_start3A_15 = arith.constant 0 : i32
      %dma_start3A_16 = tpu.memref_slice %arg5[%add3A_12, %dma_start3A_15] : memref<128x200xi32, #tpu.memory_space<vmem>> -> memref<1x120xi32, #tpu.memory_space<vmem>>
      %dma_start3A_17 = tpu.memref_squeeze %dma_start3A_16 : memref<1x120xi32, #tpu.memory_space<vmem>> -> memref<120xi32, #tpu.memory_space<vmem>>
      %dma_start3A_18 = arith.constant 0 : i32
      %dma_start3A_19 = arith.constant 0 : i32
      %dma_start3A_20 = tpu.memref_slice %arg3[%dma_start3A_18, %dma_start3A_19] : memref<1000000x64xf32, #tpu.memory_space<hbm>> -> memref<1000000x64xf32, #tpu.memory_space<hbm>>
      tpu.enqueue_indirect_dma source(%dma_start3A_20 : memref<1000000x64xf32, #tpu.memory_space<hbm>>) target(%dma_start3A_14 : memref<120x64xf32, #tpu.memory_space<vmem>>) offsets(%dma_start3A_17 : memref<120xi32, #tpu.memory_space<vmem>>) semaphore(%arg11 : memref<!tpu.dma_semaphore, #tpu.memory_space<semaphore_mem>>)
      %dma_start3A_21 = arith.constant 120 : i32
      %dma_start3A_22 = arith.constant 0 : i32
      %dma_start3A_23 = tpu.memref_slice %arg6[%dma_start3A_21, %dma_start3A_22] : memref<200x64xf32, #tpu.memory_space<vmem>> -> memref<80x64xf32, #tpu.memory_space<vmem>>
      %dma_start3A_24 = arith.constant 120 : i32
      %dma_start3A_25 = tpu.memref_slice %arg5[%add3A_12, %dma_start3A_24] : memref<128x200xi32, #tpu.memory_space<vmem>> -> memref<1x80xi32, #tpu.memory_space<vmem>>
      %dma_start3A_26 = tpu.memref_squeeze %dma_start3A_25 : memref<1x80xi32, #tpu.memory_space<vmem>> -> memref<80xi32, #tpu.memory_space<vmem>>
      %dma_start3A_27 = arith.constant 0 : i32
      %dma_start3A_28 = arith.constant 0 : i32
      %dma_start3A_29 = tpu.memref_slice %arg3[%dma_start3A_27, %dma_start3A_28] : memref<1000000x64xf32, #tpu.memory_space<hbm>> -> memref<1000000x64xf32, #tpu.memory_space<hbm>>
      tpu.enqueue_indirect_dma source(%dma_start3A_29 : memref<1000000x64xf32, #tpu.memory_space<hbm>>) target(%dma_start3A_23 : memref<80x64xf32, #tpu.memory_space<vmem>>) offsets(%dma_start3A_26 : memref<80xi32, #tpu.memory_space<vmem>>) semaphore(%arg11 : memref<!tpu.dma_semaphore, #tpu.memory_space<semaphore_mem>>)
      %add3A_30 = arith.constant 1 : i32
      %add3A_31 = arith.addi %mul3A_10, %add3A_30 : i32
      %dma_start3A_32 = arith.constant 0 : i32
      %dma_start3A_33 = arith.constant 0 : i32
      %dma_start3A_34 = tpu.memref_slice %arg7[%dma_start3A_32, %dma_start3A_33] : memref<200x64xf32, #tpu.memory_space<vmem>> -> memref<120x64xf32, #tpu.memory_space<vmem>>
      %dma_start3A_35 = arith.constant 0 : i32
      %dma_start3A_36 = tpu.memref_slice %arg5[%add3A_31, %dma_start3A_35] : memref<128x200xi32, #tpu.memory_space<vmem>> -> memref<1x120xi32, #tpu.memory_space<vmem>>
      %dma_start3A_37 = tpu.memref_squeeze %dma_start3A_36 : memref<1x120xi32, #tpu.memory_space<vmem>> -> memref<120xi32, #tpu.memory_space<vmem>>
      %dma_start3A_38 = arith.constant 0 : i32
      %dma_start3A_39 = arith.constant 0 : i32
      %dma_start3A_40 = tpu.memref_slice %arg3[%dma_start3A_38, %dma_start3A_39] : memref<1000000x64xf32, #tpu.memory_space<hbm>> -> memref<1000000x64xf32, #tpu.memory_space<hbm>>
      tpu.enqueue_indirect_dma source(%dma_start3A_40 : memref<1000000x64xf32, #tpu.memory_space<hbm>>) target(%dma_start3A_34 : memref<120x64xf32, #tpu.memory_space<vmem>>) offsets(%dma_start3A_37 : memref<120xi32, #tpu.memory_space<vmem>>) semaphore(%arg12 : memref<!tpu.dma_semaphore, #tpu.memory_space<semaphore_mem>>)
      %dma_start3A_41 = arith.constant 120 : i32
      %dma_start3A_42 = arith.constant 0 : i32
      %dma_start3A_43 = tpu.memref_slice %arg7[%dma_start3A_41, %dma_start3A_42] : memref<200x64xf32, #tpu.memory_space<vmem>> -> memref<80x64xf32, #tpu.memory_space<vmem>>
      %dma_start3A_44 = arith.constant 120 : i32
      %dma_start3A_45 = tpu.memref_slice %arg5[%add3A_31, %dma_start3A_44] : memref<128x200xi32, #tpu.memory_space<vmem>> -> memref<1x80xi32, #tpu.memory_space<vmem>>
      %dma_start3A_46 = tpu.memref_squeeze %dma_start3A_45 : memref<1x80xi32, #tpu.memory_space<vmem>> -> memref<80xi32, #tpu.memory_space<vmem>>
      %dma_start3A_47 = arith.constant 0 : i32
      %dma_start3A_48 = arith.constant 0 : i32
      %dma_start3A_49 = tpu.memref_slice %arg3[%dma_start3A_47, %dma_start3A_48] : memref<1000000x64xf32, #tpu.memory_space<hbm>> -> memref<1000000x64xf32, #tpu.memory_space<hbm>>
      tpu.enqueue_indirect_dma source(%dma_start3A_49 : memref<1000000x64xf32, #tpu.memory_space<hbm>>) target(%dma_start3A_43 : memref<80x64xf32, #tpu.memory_space<vmem>>) offsets(%dma_start3A_46 : memref<80xi32, #tpu.memory_space<vmem>>) semaphore(%arg12 : memref<!tpu.dma_semaphore, #tpu.memory_space<semaphore_mem>>)
      %add3A_50 = arith.constant 2 : i32
      %add3A_51 = arith.addi %mul3A_10, %add3A_50 : i32
      %dma_start3A_52 = arith.constant 0 : i32
      %dma_start3A_53 = arith.constant 0 : i32
      %dma_start3A_54 = tpu.memref_slice %arg8[%dma_start3A_52, %dma_start3A_53] : memref<200x64xf32, #tpu.memory_space<vmem>> -> memref<120x64xf32, #tpu.memory_space<vmem>>
      %dma_start3A_55 = arith.constant 0 : i32
      %dma_start3A_56 = tpu.memref_slice %arg5[%add3A_51, %dma_start3A_55] : memref<128x200xi32, #tpu.memory_space<vmem>> -> memref<1x120xi32, #tpu.memory_space<vmem>>
      %dma_start3A_57 = tpu.memref_squeeze %dma_start3A_56 : memref<1x120xi32, #tpu.memory_space<vmem>> -> memref<120xi32, #tpu.memory_space<vmem>>
      %dma_start3A_58 = arith.constant 0 : i32
      %dma_start3A_59 = arith.constant 0 : i32
      %dma_start3A_60 = tpu.memref_slice %arg3[%dma_start3A_58, %dma_start3A_59] : memref<1000000x64xf32, #tpu.memory_space<hbm>> -> memref<1000000x64xf32, #tpu.memory_space<hbm>>
      tpu.enqueue_indirect_dma source(%dma_start3A_60 : memref<1000000x64xf32, #tpu.memory_space<hbm>>) target(%dma_start3A_54 : memref<120x64xf32, #tpu.memory_space<vmem>>) offsets(%dma_start3A_57 : memref<120xi32, #tpu.memory_space<vmem>>) semaphore(%arg13 : memref<!tpu.dma_semaphore, #tpu.memory_space<semaphore_mem>>)
      %dma_start3A_61 = arith.constant 120 : i32
      %dma_start3A_62 = arith.constant 0 : i32
      %dma_start3A_63 = tpu.memref_slice %arg8[%dma_start3A_61, %dma_start3A_62] : memref<200x64xf32, #tpu.memory_space<vmem>> -> memref<80x64xf32, #tpu.memory_space<vmem>>
      %dma_start3A_64 = arith.constant 120 : i32
      %dma_start3A_65 = tpu.memref_slice %arg5[%add3A_51, %dma_start3A_64] : memref<128x200xi32, #tpu.memory_space<vmem>> -> memref<1x80xi32, #tpu.memory_space<vmem>>
      %dma_start3A_66 = tpu.memref_squeeze %dma_start3A_65 : memref<1x80xi32, #tpu.memory_space<vmem>> -> memref<80xi32, #tpu.memory_space<vmem>>
      %dma_start3A_67 = arith.constant 0 : i32
      %dma_start3A_68 = arith.constant 0 : i32
      %dma_start3A_69 = tpu.memref_slice %arg3[%dma_start3A_67, %dma_start3A_68] : memref<1000000x64xf32, #tpu.memory_space<hbm>> -> memref<1000000x64xf32, #tpu.memory_space<hbm>>
      tpu.enqueue_indirect_dma source(%dma_start3A_69 : memref<1000000x64xf32, #tpu.memory_space<hbm>>) target(%dma_start3A_63 : memref<80x64xf32, #tpu.memory_space<vmem>>) offsets(%dma_start3A_66 : memref<80xi32, #tpu.memory_space<vmem>>) semaphore(%arg13 : memref<!tpu.dma_semaphore, #tpu.memory_space<semaphore_mem>>)
      %add3A_70 = arith.constant 3 : i32
      %add3A_71 = arith.addi %mul3A_10, %add3A_70 : i32
      %dma_start3A_72 = arith.constant 0 : i32
      %dma_start3A_73 = arith.constant 0 : i32
      %dma_start3A_74 = tpu.memref_slice %arg9[%dma_start3A_72, %dma_start3A_73] : memref<200x64xf32, #tpu.memory_space<vmem>> -> memref<120x64xf32, #tpu.memory_space<vmem>>
      %dma_start3A_75 = arith.constant 0 : i32
      %dma_start3A_76 = tpu.memref_slice %arg5[%add3A_71, %dma_start3A_75] : memref<128x200xi32, #tpu.memory_space<vmem>> -> memref<1x120xi32, #tpu.memory_space<vmem>>
      %dma_start3A_77 = tpu.memref_squeeze %dma_start3A_76 : memref<1x120xi32, #tpu.memory_space<vmem>> -> memref<120xi32, #tpu.memory_space<vmem>>
      %dma_start3A_78 = arith.constant 0 : i32
      %dma_start3A_79 = arith.constant 0 : i32
      %dma_start3A_80 = tpu.memref_slice %arg3[%dma_start3A_78, %dma_start3A_79] : memref<1000000x64xf32, #tpu.memory_space<hbm>> -> memref<1000000x64xf32, #tpu.memory_space<hbm>>
      tpu.enqueue_indirect_dma source(%dma_start3A_80 : memref<1000000x64xf32, #tpu.memory_space<hbm>>) target(%dma_start3A_74 : memref<120x64xf32, #tpu.memory_space<vmem>>) offsets(%dma_start3A_77 : memref<120xi32, #tpu.memory_space<vmem>>) semaphore(%arg14 : memref<!tpu.dma_semaphore, #tpu.memory_space<semaphore_mem>>)
      %dma_start3A_81 = arith.constant 120 : i32
      %dma_start3A_82 = arith.constant 0 : i32
      %dma_start3A_83 = tpu.memref_slice %arg9[%dma_start3A_81, %dma_start3A_82] : memref<200x64xf32, #tpu.memory_space<vmem>> -> memref<80x64xf32, #tpu.memory_space<vmem>>
      %dma_start3A_84 = arith.constant 120 : i32
      %dma_start3A_85 = tpu.memref_slice %arg5[%add3A_71, %dma_start3A_84] : memref<128x200xi32, #tpu.memory_space<vmem>> -> memref<1x80xi32, #tpu.memory_space<vmem>>
      %dma_start3A_86 = tpu.memref_squeeze %dma_start3A_85 : memref<1x80xi32, #tpu.memory_space<vmem>> -> memref<80xi32, #tpu.memory_space<vmem>>
      %dma_start3A_87 = arith.constant 0 : i32
      %dma_start3A_88 = arith.constant 0 : i32
      %dma_start3A_89 = tpu.memref_slice %arg3[%dma_start3A_87, %dma_start3A_88] : memref<1000000x64xf32, #tpu.memory_space<hbm>> -> memref<1000000x64xf32, #tpu.memory_space<hbm>>
      tpu.enqueue_indirect_dma source(%dma_start3A_89 : memref<1000000x64xf32, #tpu.memory_space<hbm>>) target(%dma_start3A_83 : memref<80x64xf32, #tpu.memory_space<vmem>>) offsets(%dma_start3A_86 : memref<80xi32, #tpu.memory_space<vmem>>) semaphore(%arg14 : memref<!tpu.dma_semaphore, #tpu.memory_space<semaphore_mem>>)
      %dma_wait3A = arith.constant 0 : i32
      %dma_wait3A_90 = arith.constant 0 : i32
      %dma_wait3A_91 = tpu.memref_slice %arg6[%dma_wait3A, %dma_wait3A_90] : memref<200x64xf32, #tpu.memory_space<vmem>> -> memref<120x64xf32, #tpu.memory_space<vmem>>
      %dma_wait3A_92 = arith.constant 0 : i32
      %dma_wait3A_93 = tpu.memref_slice %arg5[%add3A_12, %dma_wait3A_92] : memref<128x200xi32, #tpu.memory_space<vmem>> -> memref<1x120xi32, #tpu.memory_space<vmem>>
      %dma_wait3A_94 = tpu.memref_squeeze %dma_wait3A_93 : memref<1x120xi32, #tpu.memory_space<vmem>> -> memref<120xi32, #tpu.memory_space<vmem>>
      %dma_wait3A_95 = arith.constant 0 : i32
      %dma_wait3A_96 = arith.constant 0 : i32
      %dma_wait3A_97 = tpu.memref_slice %arg3[%dma_wait3A_95, %dma_wait3A_96] : memref<1000000x64xf32, #tpu.memory_space<hbm>> -> memref<1000000x64xf32, #tpu.memory_space<hbm>>
      tpu.wait_indirect_dma semaphore(%arg11 : memref<!tpu.dma_semaphore, #tpu.memory_space<semaphore_mem>>) src(%dma_wait3A_97 : memref<1000000x64xf32, #tpu.memory_space<hbm>>) dst(%dma_wait3A_91 : memref<120x64xf32, #tpu.memory_space<vmem>>)
      %dma_wait3A_98 = arith.constant 120 : i32
      %dma_wait3A_99 = arith.constant 0 : i32
      %dma_wait3A_100 = tpu.memref_slice %arg6[%dma_wait3A_98, %dma_wait3A_99] : memref<200x64xf32, #tpu.memory_space<vmem>> -> memref<80x64xf32, #tpu.memory_space<vmem>>
      %dma_wait3A_101 = arith.constant 120 : i32
      %dma_wait3A_102 = tpu.memref_slice %arg5[%add3A_12, %dma_wait3A_101] : memref<128x200xi32, #tpu.memory_space<vmem>> -> memref<1x80xi32, #tpu.memory_space<vmem>>
      %dma_wait3A_103 = tpu.memref_squeeze %dma_wait3A_102 : memref<1x80xi32, #tpu.memory_space<vmem>> -> memref<80xi32, #tpu.memory_space<vmem>>
      %dma_wait3A_104 = arith.constant 0 : i32
      %dma_wait3A_105 = arith.constant 0 : i32
      %dma_wait3A_106 = tpu.memref_slice %arg3[%dma_wait3A_104, %dma_wait3A_105] : memref<1000000x64xf32, #tpu.memory_space<hbm>> -> memref<1000000x64xf32, #tpu.memory_space<hbm>>
      tpu.wait_indirect_dma semaphore(%arg11 : memref<!tpu.dma_semaphore, #tpu.memory_space<semaphore_mem>>) src(%dma_wait3A_106 : memref<1000000x64xf32, #tpu.memory_space<hbm>>) dst(%dma_wait3A_100 : memref<80x64xf32, #tpu.memory_space<vmem>>)
      %add3A_107 = arith.constant 0 : i32
      %add3A_108 = arith.addi %mul3A_10, %add3A_107 : i32
      %broadcast_in_dim3A = arith.constant 0.000000e+00 : f32
      %broadcast_in_dim3A_109 = vector.broadcast %broadcast_in_dim3A : f32 to vector<16xf32>
      %broadcast_in_dim3A_110 = arith.constant 0.000000e+00 : f32
      %broadcast_in_dim3A_111 = vector.broadcast %broadcast_in_dim3A_110 : f32 to vector<16xf32>
      %broadcast_in_dim3A_112 = arith.constant 0.000000e+00 : f32
      %broadcast_in_dim3A_113 = vector.broadcast %broadcast_in_dim3A_112 : f32 to vector<16xf32>
      %broadcast_in_dim3A_114 = arith.constant 0.000000e+00 : f32
      %broadcast_in_dim3A_115 = vector.broadcast %broadcast_in_dim3A_114 : f32 to vector<16xf32>
      %scan3A_116 = arith.constant 0 : i32
      %scan3A_117 = arith.constant 200 : i32
      %scan3A_118 = arith.addi %scan3A_116, %scan3A_117 : i32
      %scan3A_119 = arith.constant 4 : i32
      %scan3A_120:4 = scf.for %scan3A_303 = %scan3A_116 to %scan3A_118 step %scan3A_119 iter_args(%scan3A_304 = %broadcast_in_dim3A_109, %scan3A_305 = %broadcast_in_dim3A_111, %scan3A_306 = %broadcast_in_dim3A_113, %scan3A_307 = %broadcast_in_dim3A_115) -> (vector<16xf32>, vector<16xf32>, vector<16xf32>, vector<16xf32>)  : i32 {
        %get3A = arith.index_cast %scan3A_303 : i32 to index
        %get3A_308 = arith.constant 0 : index
        %get3A_309 = tpu.vector_load %arg6[%get3A, %get3A_308] {strides = array<i32>} : memref<200x64xf32, #tpu.memory_space<vmem>>, vector<1x16xf32>,
        %get3A_310 = vector.shape_cast %get3A_309 : vector<1x16xf32> to vector<16xf32>
        %add3A_311 = arith.addf %scan3A_304, %get3A_310 : vector<16xf32>
        %get3A_312 = arith.index_cast %scan3A_303 : i32 to index
        %get3A_313 = arith.constant 16 : index
        %get3A_314 = tpu.vector_load %arg6[%get3A_312, %get3A_313] {strides = array<i32>} : memref<200x64xf32, #tpu.memory_space<vmem>>, vector<1x16xf32>,
        %get3A_315 = vector.shape_cast %get3A_314 : vector<1x16xf32> to vector<16xf32>
        %add3A_316 = arith.addf %scan3A_305, %get3A_315 : vector<16xf32>
        %get3A_317 = arith.index_cast %scan3A_303 : i32 to index
        %get3A_318 = arith.constant 32 : index
        %get3A_319 = tpu.vector_load %arg6[%get3A_317, %get3A_318] {strides = array<i32>} : memref<200x64xf32, #tpu.memory_space<vmem>>, vector<1x16xf32>,
        %get3A_320 = vector.shape_cast %get3A_319 : vector<1x16xf32> to vector<16xf32>
        %add3A_321 = arith.addf %scan3A_306, %get3A_320 : vector<16xf32>
        %get3A_322 = arith.index_cast %scan3A_303 : i32 to index
        %get3A_323 = arith.constant 48 : index
        %get3A_324 = tpu.vector_load %arg6[%get3A_322, %get3A_323] {strides = array<i32>} : memref<200x64xf32, #tpu.memory_space<vmem>>, vector<1x16xf32>,
        %get3A_325 = vector.shape_cast %get3A_324 : vector<1x16xf32> to vector<16xf32>
        %add3A_326 = arith.addf %scan3A_307, %get3A_325 : vector<16xf32>
        %scan3A_327 = arith.constant 1 : i32
        %scan3A_328 = arith.addi %scan3A_303, %scan3A_327 : i32
        %get3A_329 = arith.index_cast %scan3A_328 : i32 to index
        %get3A_330 = arith.constant 0 : index
        %get3A_331 = tpu.vector_load %arg6[%get3A_329, %get3A_330] {strides = array<i32>} : memref<200x64xf32, #tpu.memory_space<vmem>>, vector<1x16xf32>,
        %get3A_332 = vector.shape_cast %get3A_331 : vector<1x16xf32> to vector<16xf32>
        %add3A_333 = arith.addf %add3A_311, %get3A_332 : vector<16xf32>
        %get3A_334 = arith.index_cast %scan3A_328 : i32 to index
        %get3A_335 = arith.constant 16 : index
        %get3A_336 = tpu.vector_load %arg6[%get3A_334, %get3A_335] {strides = array<i32>} : memref<200x64xf32, #tpu.memory_space<vmem>>, vector<1x16xf32>,
        %get3A_337 = vector.shape_cast %get3A_336 : vector<1x16xf32> to vector<16xf32>
        %add3A_338 = arith.addf %add3A_316, %get3A_337 : vector<16xf32>
        %get3A_339 = arith.index_cast %scan3A_328 : i32 to index
        %get3A_340 = arith.constant 32 : index
        %get3A_341 = tpu.vector_load %arg6[%get3A_339, %get3A_340] {strides = array<i32>} : memref<200x64xf32, #tpu.memory_space<vmem>>, vector<1x16xf32>,
        %get3A_342 = vector.shape_cast %get3A_341 : vector<1x16xf32> to vector<16xf32>
        %add3A_343 = arith.addf %add3A_321, %get3A_342 : vector<16xf32>
        %get3A_344 = arith.index_cast %scan3A_328 : i32 to index
        %get3A_345 = arith.constant 48 : index
        %get3A_346 = tpu.vector_load %arg6[%get3A_344, %get3A_345] {strides = array<i32>} : memref<200x64xf32, #tpu.memory_space<vmem>>, vector<1x16xf32>,
        %get3A_347 = vector.shape_cast %get3A_346 : vector<1x16xf32> to vector<16xf32>
        %add3A_348 = arith.addf %add3A_326, %get3A_347 : vector<16xf32>
        %scan3A_349 = arith.constant 2 : i32
        %scan3A_350 = arith.addi %scan3A_303, %scan3A_349 : i32
        %get3A_351 = arith.index_cast %scan3A_350 : i32 to index
        %get3A_352 = arith.constant 0 : index
        %get3A_353 = tpu.vector_load %arg6[%get3A_351, %get3A_352] {strides = array<i32>} : memref<200x64xf32, #tpu.memory_space<vmem>>, vector<1x16xf32>,
        %get3A_354 = vector.shape_cast %get3A_353 : vector<1x16xf32> to vector<16xf32>
        %add3A_355 = arith.addf %add3A_333, %get3A_354 : vector<16xf32>
        %get3A_356 = arith.index_cast %scan3A_350 : i32 to index
        %get3A_357 = arith.constant 16 : index
        %get3A_358 = tpu.vector_load %arg6[%get3A_356, %get3A_357] {strides = array<i32>} : memref<200x64xf32, #tpu.memory_space<vmem>>, vector<1x16xf32>,
        %get3A_359 = vector.shape_cast %get3A_358 : vector<1x16xf32> to vector<16xf32>
        %add3A_360 = arith.addf %add3A_338, %get3A_359 : vector<16xf32>
        %get3A_361 = arith.index_cast %scan3A_350 : i32 to index
        %get3A_362 = arith.constant 32 : index
        %get3A_363 = tpu.vector_load %arg6[%get3A_361, %get3A_362] {strides = array<i32>} : memref<200x64xf32, #tpu.memory_space<vmem>>, vector<1x16xf32>,
        %get3A_364 = vector.shape_cast %get3A_363 : vector<1x16xf32> to vector<16xf32>
        %add3A_365 = arith.addf %add3A_343, %get3A_364 : vector<16xf32>
        %get3A_366 = arith.index_cast %scan3A_350 : i32 to index
        %get3A_367 = arith.constant 48 : index
        %get3A_368 = tpu.vector_load %arg6[%get3A_366, %get3A_367] {strides = array<i32>} : memref<200x64xf32, #tpu.memory_space<vmem>>, vector<1x16xf32>,
        %get3A_369 = vector.shape_cast %get3A_368 : vector<1x16xf32> to vector<16xf32>
        %add3A_370 = arith.addf %add3A_348, %get3A_369 : vector<16xf32>
        %scan3A_371 = arith.constant 3 : i32
        %scan3A_372 = arith.addi %scan3A_303, %scan3A_371 : i32
        %get3A_373 = arith.index_cast %scan3A_372 : i32 to index
        %get3A_374 = arith.constant 0 : index
        %get3A_375 = tpu.vector_load %arg6[%get3A_373, %get3A_374] {strides = array<i32>} : memref<200x64xf32, #tpu.memory_space<vmem>>, vector<1x16xf32>,
        %get3A_376 = vector.shape_cast %get3A_375 : vector<1x16xf32> to vector<16xf32>
        %add3A_377 = arith.addf %add3A_355, %get3A_376 : vector<16xf32>
        %get3A_378 = arith.index_cast %scan3A_372 : i32 to index
        %get3A_379 = arith.constant 16 : index
        %get3A_380 = tpu.vector_load %arg6[%get3A_378, %get3A_379] {strides = array<i32>} : memref<200x64xf32, #tpu.memory_space<vmem>>, vector<1x16xf32>,
        %get3A_381 = vector.shape_cast %get3A_380 : vector<1x16xf32> to vector<16xf32>
        %add3A_382 = arith.addf %add3A_360, %get3A_381 : vector<16xf32>
        %get3A_383 = arith.index_cast %scan3A_372 : i32 to index
        %get3A_384 = arith.constant 32 : index
        %get3A_385 = tpu.vector_load %arg6[%get3A_383, %get3A_384] {strides = array<i32>} : memref<200x64xf32, #tpu.memory_space<vmem>>, vector<1x16xf32>,
        %get3A_386 = vector.shape_cast %get3A_385 : vector<1x16xf32> to vector<16xf32>
        %add3A_387 = arith.addf %add3A_365, %get3A_386 : vector<16xf32>
        %get3A_388 = arith.index_cast %scan3A_372 : i32 to index
        %get3A_389 = arith.constant 48 : index
        %get3A_390 = tpu.vector_load %arg6[%get3A_388, %get3A_389] {strides = array<i32>} : memref<200x64xf32, #tpu.memory_space<vmem>>, vector<1x16xf32>,
        %get3A_391 = vector.shape_cast %get3A_390 : vector<1x16xf32> to vector<16xf32>
        %add3A_392 = arith.addf %add3A_370, %get3A_391 : vector<16xf32>
        scf.yield %add3A_377, %add3A_382, %add3A_387, %add3A_392 : vector<16xf32>, vector<16xf32>, vector<16xf32>, vector<16xf32>
      }
      %scan3A_121 = arith.constant 200 : i32
      %swap3A = arith.index_cast %add3A_108 : i32 to index
      %swap3A_122 = arith.constant 0 : index
      %swap3A_123 = tpu.vector_load %arg10[%swap3A, %swap3A_122] {strides = array<i32>} : memref<128x64xf32, #tpu.memory_space<vmem>>, vector<1x16xf32>,
      %swap3A_124 = vector.shape_cast %swap3A_123 : vector<1x16xf32> to vector<16xf32>
      %swap3A_125 = vector.shape_cast %scan3A_120#0 : vector<16xf32> to vector<1x16xf32>
      tpu.vector_store %arg10[%swap3A, %swap3A_122], %swap3A_125 {strides = array<i32>} : memref<128x64xf32, #tpu.memory_space<vmem>>, vector<1x16xf32>,
      %swap3A_126 = arith.index_cast %add3A_108 : i32 to index
      %swap3A_127 = arith.constant 16 : index
      %swap3A_128 = tpu.vector_load %arg10[%swap3A_126, %swap3A_127] {strides = array<i32>} : memref<128x64xf32, #tpu.memory_space<vmem>>, vector<1x16xf32>,
      %swap3A_129 = vector.shape_cast %swap3A_128 : vector<1x16xf32> to vector<16xf32>
      %swap3A_130 = vector.shape_cast %scan3A_120#1 : vector<16xf32> to vector<1x16xf32>
      tpu.vector_store %arg10[%swap3A_126, %swap3A_127], %swap3A_130 {strides = array<i32>} : memref<128x64xf32, #tpu.memory_space<vmem>>, vector<1x16xf32>,
      %swap3A_131 = arith.index_cast %add3A_108 : i32 to index
      %swap3A_132 = arith.constant 32 : index
      %swap3A_133 = tpu.vector_load %arg10[%swap3A_131, %swap3A_132] {strides = array<i32>} : memref<128x64xf32, #tpu.memory_space<vmem>>, vector<1x16xf32>,
      %swap3A_134 = vector.shape_cast %swap3A_133 : vector<1x16xf32> to vector<16xf32>
      %swap3A_135 = vector.shape_cast %scan3A_120#2 : vector<16xf32> to vector<1x16xf32>
      tpu.vector_store %arg10[%swap3A_131, %swap3A_132], %swap3A_135 {strides = array<i32>} : memref<128x64xf32, #tpu.memory_space<vmem>>, vector<1x16xf32>,
      %swap3A_136 = arith.index_cast %add3A_108 : i32 to index
      %swap3A_137 = arith.constant 48 : index
      %swap3A_138 = tpu.vector_load %arg10[%swap3A_136, %swap3A_137] {strides = array<i32>} : memref<128x64xf32, #tpu.memory_space<vmem>>, vector<1x16xf32>,
      %swap3A_139 = vector.shape_cast %swap3A_138 : vector<1x16xf32> to vector<16xf32>
      %swap3A_140 = vector.shape_cast %scan3A_120#3 : vector<16xf32> to vector<1x16xf32>
      tpu.vector_store %arg10[%swap3A_136, %swap3A_137], %swap3A_140 {strides = array<i32>} : memref<128x64xf32, #tpu.memory_space<vmem>>, vector<1x16xf32>,
      %dma_wait3A_141 = arith.constant 0 : i32
      %dma_wait3A_142 = arith.constant 0 : i32
      %dma_wait3A_143 = tpu.memref_slice %arg7[%dma_wait3A_141, %dma_wait3A_142] : memref<200x64xf32, #tpu.memory_space<vmem>> -> memref<120x64xf32, #tpu.memory_space<vmem>>
      %dma_wait3A_144 = arith.constant 0 : i32
      %dma_wait3A_145 = tpu.memref_slice %arg5[%add3A_31, %dma_wait3A_144] : memref<128x200xi32, #tpu.memory_space<vmem>> -> memref<1x120xi32, #tpu.memory_space<vmem>>
      %dma_wait3A_146 = tpu.memref_squeeze %dma_wait3A_145 : memref<1x120xi32, #tpu.memory_space<vmem>> -> memref<120xi32, #tpu.memory_space<vmem>>
      %dma_wait3A_147 = arith.constant 0 : i32
      %dma_wait3A_148 = arith.constant 0 : i32
      %dma_wait3A_149 = tpu.memref_slice %arg3[%dma_wait3A_147, %dma_wait3A_148] : memref<1000000x64xf32, #tpu.memory_space<hbm>> -> memref<1000000x64xf32, #tpu.memory_space<hbm>>
      tpu.wait_indirect_dma semaphore(%arg12 : memref<!tpu.dma_semaphore, #tpu.memory_space<semaphore_mem>>) src(%dma_wait3A_149 : memref<1000000x64xf32, #tpu.memory_space<hbm>>) dst(%dma_wait3A_143 : memref<120x64xf32, #tpu.memory_space<vmem>>)
      %dma_wait3A_150 = arith.constant 120 : i32
      %dma_wait3A_151 = arith.constant 0 : i32
      %dma_wait3A_152 = tpu.memref_slice %arg7[%dma_wait3A_150, %dma_wait3A_151] : memref<200x64xf32, #tpu.memory_space<vmem>> -> memref<80x64xf32, #tpu.memory_space<vmem>>
      %dma_wait3A_153 = arith.constant 120 : i32
      %dma_wait3A_154 = tpu.memref_slice %arg5[%add3A_31, %dma_wait3A_153] : memref<128x200xi32, #tpu.memory_space<vmem>> -> memref<1x80xi32, #tpu.memory_space<vmem>>
      %dma_wait3A_155 = tpu.memref_squeeze %dma_wait3A_154 : memref<1x80xi32, #tpu.memory_space<vmem>> -> memref<80xi32, #tpu.memory_space<vmem>>
      %dma_wait3A_156 = arith.constant 0 : i32
      %dma_wait3A_157 = arith.constant 0 : i32
      %dma_wait3A_158 = tpu.memref_slice %arg3[%dma_wait3A_156, %dma_wait3A_157] : memref<1000000x64xf32, #tpu.memory_space<hbm>> -> memref<1000000x64xf32, #tpu.memory_space<hbm>>
      tpu.wait_indirect_dma semaphore(%arg12 : memref<!tpu.dma_semaphore, #tpu.memory_space<semaphore_mem>>) src(%dma_wait3A_158 : memref<1000000x64xf32, #tpu.memory_space<hbm>>) dst(%dma_wait3A_152 : memref<80x64xf32, #tpu.memory_space<vmem>>)
      %add3A_159 = arith.constant 1 : i32
      %add3A_160 = arith.addi %mul3A_10, %add3A_159 : i32
      %broadcast_in_dim3A_161 = arith.constant 0.000000e+00 : f32
      %broadcast_in_dim3A_162 = vector.broadcast %broadcast_in_dim3A_161 : f32 to vector<16xf32>
      %broadcast_in_dim3A_163 = arith.constant 0.000000e+00 : f32
      %broadcast_in_dim3A_164 = vector.broadcast %broadcast_in_dim3A_163 : f32 to vector<16xf32>
      %broadcast_in_dim3A_165 = arith.constant 0.000000e+00 : f32
      %broadcast_in_dim3A_166 = vector.broadcast %broadcast_in_dim3A_165 : f32 to vector<16xf32>
      %broadcast_in_dim3A_167 = arith.constant 0.000000e+00 : f32
      %broadcast_in_dim3A_168 = vector.broadcast %broadcast_in_dim3A_167 : f32 to vector<16xf32>
      %scan3A_169 = arith.constant 0 : i32
      %scan3A_170 = arith.constant 200 : i32
      %scan3A_171 = arith.addi %scan3A_169, %scan3A_170 : i32
      %scan3A_172 = arith.constant 4 : i32
      %scan3A_173:4 = scf.for %scan3A_303 = %scan3A_169 to %scan3A_171 step %scan3A_172 iter_args(%scan3A_304 = %broadcast_in_dim3A_162, %scan3A_305 = %broadcast_in_dim3A_164, %scan3A_306 = %broadcast_in_dim3A_166, %scan3A_307 = %broadcast_in_dim3A_168) -> (vector<16xf32>, vector<16xf32>, vector<16xf32>, vector<16xf32>)  : i32 {
        %get3A = arith.index_cast %scan3A_303 : i32 to index
        %get3A_308 = arith.constant 0 : index
        %get3A_309 = tpu.vector_load %arg7[%get3A, %get3A_308] {strides = array<i32>} : memref<200x64xf32, #tpu.memory_space<vmem>>, vector<1x16xf32>,
        %get3A_310 = vector.shape_cast %get3A_309 : vector<1x16xf32> to vector<16xf32>
        %add3A_311 = arith.addf %scan3A_304, %get3A_310 : vector<16xf32>
        %get3A_312 = arith.index_cast %scan3A_303 : i32 to index
        %get3A_313 = arith.constant 16 : index
        %get3A_314 = tpu.vector_load %arg7[%get3A_312, %get3A_313] {strides = array<i32>} : memref<200x64xf32, #tpu.memory_space<vmem>>, vector<1x16xf32>,
        %get3A_315 = vector.shape_cast %get3A_314 : vector<1x16xf32> to vector<16xf32>
        %add3A_316 = arith.addf %scan3A_305, %get3A_315 : vector<16xf32>
        %get3A_317 = arith.index_cast %scan3A_303 : i32 to index
        %get3A_318 = arith.constant 32 : index
        %get3A_319 = tpu.vector_load %arg7[%get3A_317, %get3A_318] {strides = array<i32>} : memref<200x64xf32, #tpu.memory_space<vmem>>, vector<1x16xf32>,
        %get3A_320 = vector.shape_cast %get3A_319 : vector<1x16xf32> to vector<16xf32>
        %add3A_321 = arith.addf %scan3A_306, %get3A_320 : vector<16xf32>
        %get3A_322 = arith.index_cast %scan3A_303 : i32 to index
        %get3A_323 = arith.constant 48 : index
        %get3A_324 = tpu.vector_load %arg7[%get3A_322, %get3A_323] {strides = array<i32>} : memref<200x64xf32, #tpu.memory_space<vmem>>, vector<1x16xf32>,
        %get3A_325 = vector.shape_cast %get3A_324 : vector<1x16xf32> to vector<16xf32>
        %add3A_326 = arith.addf %scan3A_307, %get3A_325 : vector<16xf32>
        %scan3A_327 = arith.constant 1 : i32
        %scan3A_328 = arith.addi %scan3A_303, %scan3A_327 : i32
        %get3A_329 = arith.index_cast %scan3A_328 : i32 to index
        %get3A_330 = arith.constant 0 : index
        %get3A_331 = tpu.vector_load %arg7[%get3A_329, %get3A_330] {strides = array<i32>} : memref<200x64xf32, #tpu.memory_space<vmem>>, vector<1x16xf32>,
        %get3A_332 = vector.shape_cast %get3A_331 : vector<1x16xf32> to vector<16xf32>
        %add3A_333 = arith.addf %add3A_311, %get3A_332 : vector<16xf32>
        %get3A_334 = arith.index_cast %scan3A_328 : i32 to index
        %get3A_335 = arith.constant 16 : index
        %get3A_336 = tpu.vector_load %arg7[%get3A_334, %get3A_335] {strides = array<i32>} : memref<200x64xf32, #tpu.memory_space<vmem>>, vector<1x16xf32>,
        %get3A_337 = vector.shape_cast %get3A_336 : vector<1x16xf32> to vector<16xf32>
        %add3A_338 = arith.addf %add3A_316, %get3A_337 : vector<16xf32>
        %get3A_339 = arith.index_cast %scan3A_328 : i32 to index
        %get3A_340 = arith.constant 32 : index
        %get3A_341 = tpu.vector_load %arg7[%get3A_339, %get3A_340] {strides = array<i32>} : memref<200x64xf32, #tpu.memory_space<vmem>>, vector<1x16xf32>,
        %get3A_342 = vector.shape_cast %get3A_341 : vector<1x16xf32> to vector<16xf32>
        %add3A_343 = arith.addf %add3A_321, %get3A_342 : vector<16xf32>
        %get3A_344 = arith.index_cast %scan3A_328 : i32 to index
        %get3A_345 = arith.constant 48 : index
        %get3A_346 = tpu.vector_load %arg7[%get3A_344, %get3A_345] {strides = array<i32>} : memref<200x64xf32, #tpu.memory_space<vmem>>, vector<1x16xf32>,
        %get3A_347 = vector.shape_cast %get3A_346 : vector<1x16xf32> to vector<16xf32>
        %add3A_348 = arith.addf %add3A_326, %get3A_347 : vector<16xf32>
        %scan3A_349 = arith.constant 2 : i32
        %scan3A_350 = arith.addi %scan3A_303, %scan3A_349 : i32
        %get3A_351 = arith.index_cast %scan3A_350 : i32 to index
        %get3A_352 = arith.constant 0 : index
        %get3A_353 = tpu.vector_load %arg7[%get3A_351, %get3A_352] {strides = array<i32>} : memref<200x64xf32, #tpu.memory_space<vmem>>, vector<1x16xf32>,
        %get3A_354 = vector.shape_cast %get3A_353 : vector<1x16xf32> to vector<16xf32>
        %add3A_355 = arith.addf %add3A_333, %get3A_354 : vector<16xf32>
        %get3A_356 = arith.index_cast %scan3A_350 : i32 to index
        %get3A_357 = arith.constant 16 : index
        %get3A_358 = tpu.vector_load %arg7[%get3A_356, %get3A_357] {strides = array<i32>} : memref<200x64xf32, #tpu.memory_space<vmem>>, vector<1x16xf32>,
        %get3A_359 = vector.shape_cast %get3A_358 : vector<1x16xf32> to vector<16xf32>
        %add3A_360 = arith.addf %add3A_338, %get3A_359 : vector<16xf32>
        %get3A_361 = arith.index_cast %scan3A_350 : i32 to index
        %get3A_362 = arith.constant 32 : index
        %get3A_363 = tpu.vector_load %arg7[%get3A_361, %get3A_362] {strides = array<i32>} : memref<200x64xf32, #tpu.memory_space<vmem>>, vector<1x16xf32>,
        %get3A_364 = vector.shape_cast %get3A_363 : vector<1x16xf32> to vector<16xf32>
        %add3A_365 = arith.addf %add3A_343, %get3A_364 : vector<16xf32>
        %get3A_366 = arith.index_cast %scan3A_350 : i32 to index
        %get3A_367 = arith.constant 48 : index
        %get3A_368 = tpu.vector_load %arg7[%get3A_366, %get3A_367] {strides = array<i32>} : memref<200x64xf32, #tpu.memory_space<vmem>>, vector<1x16xf32>,
        %get3A_369 = vector.shape_cast %get3A_368 : vector<1x16xf32> to vector<16xf32>
        %add3A_370 = arith.addf %add3A_348, %get3A_369 : vector<16xf32>
        %scan3A_371 = arith.constant 3 : i32
        %scan3A_372 = arith.addi %scan3A_303, %scan3A_371 : i32
        %get3A_373 = arith.index_cast %scan3A_372 : i32 to index
        %get3A_374 = arith.constant 0 : index
        %get3A_375 = tpu.vector_load %arg7[%get3A_373, %get3A_374] {strides = array<i32>} : memref<200x64xf32, #tpu.memory_space<vmem>>, vector<1x16xf32>,
        %get3A_376 = vector.shape_cast %get3A_375 : vector<1x16xf32> to vector<16xf32>
        %add3A_377 = arith.addf %add3A_355, %get3A_376 : vector<16xf32>
        %get3A_378 = arith.index_cast %scan3A_372 : i32 to index
        %get3A_379 = arith.constant 16 : index
        %get3A_380 = tpu.vector_load %arg7[%get3A_378, %get3A_379] {strides = array<i32>} : memref<200x64xf32, #tpu.memory_space<vmem>>, vector<1x16xf32>,
        %get3A_381 = vector.shape_cast %get3A_380 : vector<1x16xf32> to vector<16xf32>
        %add3A_382 = arith.addf %add3A_360, %get3A_381 : vector<16xf32>
        %get3A_383 = arith.index_cast %scan3A_372 : i32 to index
        %get3A_384 = arith.constant 32 : index
        %get3A_385 = tpu.vector_load %arg7[%get3A_383, %get3A_384] {strides = array<i32>} : memref<200x64xf32, #tpu.memory_space<vmem>>, vector<1x16xf32>,
        %get3A_386 = vector.shape_cast %get3A_385 : vector<1x16xf32> to vector<16xf32>
        %add3A_387 = arith.addf %add3A_365, %get3A_386 : vector<16xf32>
        %get3A_388 = arith.index_cast %scan3A_372 : i32 to index
        %get3A_389 = arith.constant 48 : index
        %get3A_390 = tpu.vector_load %arg7[%get3A_388, %get3A_389] {strides = array<i32>} : memref<200x64xf32, #tpu.memory_space<vmem>>, vector<1x16xf32>,
        %get3A_391 = vector.shape_cast %get3A_390 : vector<1x16xf32> to vector<16xf32>
        %add3A_392 = arith.addf %add3A_370, %get3A_391 : vector<16xf32>
        scf.yield %add3A_377, %add3A_382, %add3A_387, %add3A_392 : vector<16xf32>, vector<16xf32>, vector<16xf32>, vector<16xf32>
      }
      %scan3A_174 = arith.constant 200 : i32
      %swap3A_175 = arith.index_cast %add3A_160 : i32 to index
      %swap3A_176 = arith.constant 0 : index
      %swap3A_177 = tpu.vector_load %arg10[%swap3A_175, %swap3A_176] {strides = array<i32>} : memref<128x64xf32, #tpu.memory_space<vmem>>, vector<1x16xf32>,
      %swap3A_178 = vector.shape_cast %swap3A_177 : vector<1x16xf32> to vector<16xf32>
      %swap3A_179 = vector.shape_cast %scan3A_173#0 : vector<16xf32> to vector<1x16xf32>
      tpu.vector_store %arg10[%swap3A_175, %swap3A_176], %swap3A_179 {strides = array<i32>} : memref<128x64xf32, #tpu.memory_space<vmem>>, vector<1x16xf32>,
      %swap3A_180 = arith.index_cast %add3A_160 : i32 to index
      %swap3A_181 = arith.constant 16 : index
      %swap3A_182 = tpu.vector_load %arg10[%swap3A_180, %swap3A_181] {strides = array<i32>} : memref<128x64xf32, #tpu.memory_space<vmem>>, vector<1x16xf32>,
      %swap3A_183 = vector.shape_cast %swap3A_182 : vector<1x16xf32> to vector<16xf32>
      %swap3A_184 = vector.shape_cast %scan3A_173#1 : vector<16xf32> to vector<1x16xf32>
      tpu.vector_store %arg10[%swap3A_180, %swap3A_181], %swap3A_184 {strides = array<i32>} : memref<128x64xf32, #tpu.memory_space<vmem>>, vector<1x16xf32>,
      %swap3A_185 = arith.index_cast %add3A_160 : i32 to index
      %swap3A_186 = arith.constant 32 : index
      %swap3A_187 = tpu.vector_load %arg10[%swap3A_185, %swap3A_186] {strides = array<i32>} : memref<128x64xf32, #tpu.memory_space<vmem>>, vector<1x16xf32>,
      %swap3A_188 = vector.shape_cast %swap3A_187 : vector<1x16xf32> to vector<16xf32>
      %swap3A_189 = vector.shape_cast %scan3A_173#2 : vector<16xf32> to vector<1x16xf32>
      tpu.vector_store %arg10[%swap3A_185, %swap3A_186], %swap3A_189 {strides = array<i32>} : memref<128x64xf32, #tpu.memory_space<vmem>>, vector<1x16xf32>,
      %swap3A_190 = arith.index_cast %add3A_160 : i32 to index
      %swap3A_191 = arith.constant 48 : index
      %swap3A_192 = tpu.vector_load %arg10[%swap3A_190, %swap3A_191] {strides = array<i32>} : memref<128x64xf32, #tpu.memory_space<vmem>>, vector<1x16xf32>,
      %swap3A_193 = vector.shape_cast %swap3A_192 : vector<1x16xf32> to vector<16xf32>
      %swap3A_194 = vector.shape_cast %scan3A_173#3 : vector<16xf32> to vector<1x16xf32>
      tpu.vector_store %arg10[%swap3A_190, %swap3A_191], %swap3A_194 {strides = array<i32>} : memref<128x64xf32, #tpu.memory_space<vmem>>, vector<1x16xf32>,
      %dma_wait3A_195 = arith.constant 0 : i32
      %dma_wait3A_196 = arith.constant 0 : i32
      %dma_wait3A_197 = tpu.memref_slice %arg8[%dma_wait3A_195, %dma_wait3A_196] : memref<200x64xf32, #tpu.memory_space<vmem>> -> memref<120x64xf32, #tpu.memory_space<vmem>>
      %dma_wait3A_198 = arith.constant 0 : i32
      %dma_wait3A_199 = tpu.memref_slice %arg5[%add3A_51, %dma_wait3A_198] : memref<128x200xi32, #tpu.memory_space<vmem>> -> memref<1x120xi32, #tpu.memory_space<vmem>>
      %dma_wait3A_200 = tpu.memref_squeeze %dma_wait3A_199 : memref<1x120xi32, #tpu.memory_space<vmem>> -> memref<120xi32, #tpu.memory_space<vmem>>
      %dma_wait3A_201 = arith.constant 0 : i32
      %dma_wait3A_202 = arith.constant 0 : i32
      %dma_wait3A_203 = tpu.memref_slice %arg3[%dma_wait3A_201, %dma_wait3A_202] : memref<1000000x64xf32, #tpu.memory_space<hbm>> -> memref<1000000x64xf32, #tpu.memory_space<hbm>>
      tpu.wait_indirect_dma semaphore(%arg13 : memref<!tpu.dma_semaphore, #tpu.memory_space<semaphore_mem>>) src(%dma_wait3A_203 : memref<1000000x64xf32, #tpu.memory_space<hbm>>) dst(%dma_wait3A_197 : memref<120x64xf32, #tpu.memory_space<vmem>>)
      %dma_wait3A_204 = arith.constant 120 : i32
      %dma_wait3A_205 = arith.constant 0 : i32
      %dma_wait3A_206 = tpu.memref_slice %arg8[%dma_wait3A_204, %dma_wait3A_205] : memref<200x64xf32, #tpu.memory_space<vmem>> -> memref<80x64xf32, #tpu.memory_space<vmem>>
      %dma_wait3A_207 = arith.constant 120 : i32
      %dma_wait3A_208 = tpu.memref_slice %arg5[%add3A_51, %dma_wait3A_207] : memref<128x200xi32, #tpu.memory_space<vmem>> -> memref<1x80xi32, #tpu.memory_space<vmem>>
      %dma_wait3A_209 = tpu.memref_squeeze %dma_wait3A_208 : memref<1x80xi32, #tpu.memory_space<vmem>> -> memref<80xi32, #tpu.memory_space<vmem>>
      %dma_wait3A_210 = arith.constant 0 : i32
      %dma_wait3A_211 = arith.constant 0 : i32
      %dma_wait3A_212 = tpu.memref_slice %arg3[%dma_wait3A_210, %dma_wait3A_211] : memref<1000000x64xf32, #tpu.memory_space<hbm>> -> memref<1000000x64xf32, #tpu.memory_space<hbm>>
      tpu.wait_indirect_dma semaphore(%arg13 : memref<!tpu.dma_semaphore, #tpu.memory_space<semaphore_mem>>) src(%dma_wait3A_212 : memref<1000000x64xf32, #tpu.memory_space<hbm>>) dst(%dma_wait3A_206 : memref<80x64xf32, #tpu.memory_space<vmem>>)
      %add3A_213 = arith.constant 2 : i32
      %add3A_214 = arith.addi %mul3A_10, %add3A_213 : i32
      %broadcast_in_dim3A_215 = arith.constant 0.000000e+00 : f32
      %broadcast_in_dim3A_216 = vector.broadcast %broadcast_in_dim3A_215 : f32 to vector<16xf32>
      %broadcast_in_dim3A_217 = arith.constant 0.000000e+00 : f32
      %broadcast_in_dim3A_218 = vector.broadcast %broadcast_in_dim3A_217 : f32 to vector<16xf32>
      %broadcast_in_dim3A_219 = arith.constant 0.000000e+00 : f32
      %broadcast_in_dim3A_220 = vector.broadcast %broadcast_in_dim3A_219 : f32 to vector<16xf32>
      %broadcast_in_dim3A_221 = arith.constant 0.000000e+00 : f32
      %broadcast_in_dim3A_222 = vector.broadcast %broadcast_in_dim3A_221 : f32 to vector<16xf32>
      %scan3A_223 = arith.constant 0 : i32
      %scan3A_224 = arith.constant 200 : i32
      %scan3A_225 = arith.addi %scan3A_223, %scan3A_224 : i32
      %scan3A_226 = arith.constant 4 : i32
      %scan3A_227:4 = scf.for %scan3A_303 = %scan3A_223 to %scan3A_225 step %scan3A_226 iter_args(%scan3A_304 = %broadcast_in_dim3A_216, %scan3A_305 = %broadcast_in_dim3A_218, %scan3A_306 = %broadcast_in_dim3A_220, %scan3A_307 = %broadcast_in_dim3A_222) -> (vector<16xf32>, vector<16xf32>, vector<16xf32>, vector<16xf32>)  : i32 {
        %get3A = arith.index_cast %scan3A_303 : i32 to index
        %get3A_308 = arith.constant 0 : index
        %get3A_309 = tpu.vector_load %arg8[%get3A, %get3A_308] {strides = array<i32>} : memref<200x64xf32, #tpu.memory_space<vmem>>, vector<1x16xf32>,
        %get3A_310 = vector.shape_cast %get3A_309 : vector<1x16xf32> to vector<16xf32>
        %add3A_311 = arith.addf %scan3A_304, %get3A_310 : vector<16xf32>
        %get3A_312 = arith.index_cast %scan3A_303 : i32 to index
        %get3A_313 = arith.constant 16 : index
        %get3A_314 = tpu.vector_load %arg8[%get3A_312, %get3A_313] {strides = array<i32>} : memref<200x64xf32, #tpu.memory_space<vmem>>, vector<1x16xf32>,
        %get3A_315 = vector.shape_cast %get3A_314 : vector<1x16xf32> to vector<16xf32>
        %add3A_316 = arith.addf %scan3A_305, %get3A_315 : vector<16xf32>
        %get3A_317 = arith.index_cast %scan3A_303 : i32 to index
        %get3A_318 = arith.constant 32 : index
        %get3A_319 = tpu.vector_load %arg8[%get3A_317, %get3A_318] {strides = array<i32>} : memref<200x64xf32, #tpu.memory_space<vmem>>, vector<1x16xf32>,
        %get3A_320 = vector.shape_cast %get3A_319 : vector<1x16xf32> to vector<16xf32>
        %add3A_321 = arith.addf %scan3A_306, %get3A_320 : vector<16xf32>
        %get3A_322 = arith.index_cast %scan3A_303 : i32 to index
        %get3A_323 = arith.constant 48 : index
        %get3A_324 = tpu.vector_load %arg8[%get3A_322, %get3A_323] {strides = array<i32>} : memref<200x64xf32, #tpu.memory_space<vmem>>, vector<1x16xf32>,
        %get3A_325 = vector.shape_cast %get3A_324 : vector<1x16xf32> to vector<16xf32>
        %add3A_326 = arith.addf %scan3A_307, %get3A_325 : vector<16xf32>
        %scan3A_327 = arith.constant 1 : i32
        %scan3A_328 = arith.addi %scan3A_303, %scan3A_327 : i32
        %get3A_329 = arith.index_cast %scan3A_328 : i32 to index
        %get3A_330 = arith.constant 0 : index
        %get3A_331 = tpu.vector_load %arg8[%get3A_329, %get3A_330] {strides = array<i32>} : memref<200x64xf32, #tpu.memory_space<vmem>>, vector<1x16xf32>,
        %get3A_332 = vector.shape_cast %get3A_331 : vector<1x16xf32> to vector<16xf32>
        %add3A_333 = arith.addf %add3A_311, %get3A_332 : vector<16xf32>
        %get3A_334 = arith.index_cast %scan3A_328 : i32 to index
        %get3A_335 = arith.constant 16 : index
        %get3A_336 = tpu.vector_load %arg8[%get3A_334, %get3A_335] {strides = array<i32>} : memref<200x64xf32, #tpu.memory_space<vmem>>, vector<1x16xf32>,
        %get3A_337 = vector.shape_cast %get3A_336 : vector<1x16xf32> to vector<16xf32>
        %add3A_338 = arith.addf %add3A_316, %get3A_337 : vector<16xf32>
        %get3A_339 = arith.index_cast %scan3A_328 : i32 to index
        %get3A_340 = arith.constant 32 : index
        %get3A_341 = tpu.vector_load %arg8[%get3A_339, %get3A_340] {strides = array<i32>} : memref<200x64xf32, #tpu.memory_space<vmem>>, vector<1x16xf32>,
        %get3A_342 = vector.shape_cast %get3A_341 : vector<1x16xf32> to vector<16xf32>
        %add3A_343 = arith.addf %add3A_321, %get3A_342 : vector<16xf32>
        %get3A_344 = arith.index_cast %scan3A_328 : i32 to index
        %get3A_345 = arith.constant 48 : index
        %get3A_346 = tpu.vector_load %arg8[%get3A_344, %get3A_345] {strides = array<i32>} : memref<200x64xf32, #tpu.memory_space<vmem>>, vector<1x16xf32>,
        %get3A_347 = vector.shape_cast %get3A_346 : vector<1x16xf32> to vector<16xf32>
        %add3A_348 = arith.addf %add3A_326, %get3A_347 : vector<16xf32>
        %scan3A_349 = arith.constant 2 : i32
        %scan3A_350 = arith.addi %scan3A_303, %scan3A_349 : i32
        %get3A_351 = arith.index_cast %scan3A_350 : i32 to index
        %get3A_352 = arith.constant 0 : index
        %get3A_353 = tpu.vector_load %arg8[%get3A_351, %get3A_352] {strides = array<i32>} : memref<200x64xf32, #tpu.memory_space<vmem>>, vector<1x16xf32>,
        %get3A_354 = vector.shape_cast %get3A_353 : vector<1x16xf32> to vector<16xf32>
        %add3A_355 = arith.addf %add3A_333, %get3A_354 : vector<16xf32>
        %get3A_356 = arith.index_cast %scan3A_350 : i32 to index
        %get3A_357 = arith.constant 16 : index
        %get3A_358 = tpu.vector_load %arg8[%get3A_356, %get3A_357] {strides = array<i32>} : memref<200x64xf32, #tpu.memory_space<vmem>>, vector<1x16xf32>,
        %get3A_359 = vector.shape_cast %get3A_358 : vector<1x16xf32> to vector<16xf32>
        %add3A_360 = arith.addf %add3A_338, %get3A_359 : vector<16xf32>
        %get3A_361 = arith.index_cast %scan3A_350 : i32 to index
        %get3A_362 = arith.constant 32 : index
        %get3A_363 = tpu.vector_load %arg8[%get3A_361, %get3A_362] {strides = array<i32>} : memref<200x64xf32, #tpu.memory_space<vmem>>, vector<1x16xf32>,
        %get3A_364 = vector.shape_cast %get3A_363 : vector<1x16xf32> to vector<16xf32>
        %add3A_365 = arith.addf %add3A_343, %get3A_364 : vector<16xf32>
        %get3A_366 = arith.index_cast %scan3A_350 : i32 to index
        %get3A_367 = arith.constant 48 : index
        %get3A_368 = tpu.vector_load %arg8[%get3A_366, %get3A_367] {strides = array<i32>} : memref<200x64xf32, #tpu.memory_space<vmem>>, vector<1x16xf32>,
        %get3A_369 = vector.shape_cast %get3A_368 : vector<1x16xf32> to vector<16xf32>
        %add3A_370 = arith.addf %add3A_348, %get3A_369 : vector<16xf32>
        %scan3A_371 = arith.constant 3 : i32
        %scan3A_372 = arith.addi %scan3A_303, %scan3A_371 : i32
        %get3A_373 = arith.index_cast %scan3A_372 : i32 to index
        %get3A_374 = arith.constant 0 : index
        %get3A_375 = tpu.vector_load %arg8[%get3A_373, %get3A_374] {strides = array<i32>} : memref<200x64xf32, #tpu.memory_space<vmem>>, vector<1x16xf32>,
        %get3A_376 = vector.shape_cast %get3A_375 : vector<1x16xf32> to vector<16xf32>
        %add3A_377 = arith.addf %add3A_355, %get3A_376 : vector<16xf32>
        %get3A_378 = arith.index_cast %scan3A_372 : i32 to index
        %get3A_379 = arith.constant 16 : index
        %get3A_380 = tpu.vector_load %arg8[%get3A_378, %get3A_379] {strides = array<i32>} : memref<200x64xf32, #tpu.memory_space<vmem>>, vector<1x16xf32>,
        %get3A_381 = vector.shape_cast %get3A_380 : vector<1x16xf32> to vector<16xf32>
        %add3A_382 = arith.addf %add3A_360, %get3A_381 : vector<16xf32>
        %get3A_383 = arith.index_cast %scan3A_372 : i32 to index
        %get3A_384 = arith.constant 32 : index
        %get3A_385 = tpu.vector_load %arg8[%get3A_383, %get3A_384] {strides = array<i32>} : memref<200x64xf32, #tpu.memory_space<vmem>>, vector<1x16xf32>,
        %get3A_386 = vector.shape_cast %get3A_385 : vector<1x16xf32> to vector<16xf32>
        %add3A_387 = arith.addf %add3A_365, %get3A_386 : vector<16xf32>
        %get3A_388 = arith.index_cast %scan3A_372 : i32 to index
        %get3A_389 = arith.constant 48 : index
        %get3A_390 = tpu.vector_load %arg8[%get3A_388, %get3A_389] {strides = array<i32>} : memref<200x64xf32, #tpu.memory_space<vmem>>, vector<1x16xf32>,
        %get3A_391 = vector.shape_cast %get3A_390 : vector<1x16xf32> to vector<16xf32>
        %add3A_392 = arith.addf %add3A_370, %get3A_391 : vector<16xf32>
        scf.yield %add3A_377, %add3A_382, %add3A_387, %add3A_392 : vector<16xf32>, vector<16xf32>, vector<16xf32>, vector<16xf32>
      }
      %scan3A_228 = arith.constant 200 : i32
      %swap3A_229 = arith.index_cast %add3A_214 : i32 to index
      %swap3A_230 = arith.constant 0 : index
      %swap3A_231 = tpu.vector_load %arg10[%swap3A_229, %swap3A_230] {strides = array<i32>} : memref<128x64xf32, #tpu.memory_space<vmem>>, vector<1x16xf32>,
      %swap3A_232 = vector.shape_cast %swap3A_231 : vector<1x16xf32> to vector<16xf32>
      %swap3A_233 = vector.shape_cast %scan3A_227#0 : vector<16xf32> to vector<1x16xf32>
      tpu.vector_store %arg10[%swap3A_229, %swap3A_230], %swap3A_233 {strides = array<i32>} : memref<128x64xf32, #tpu.memory_space<vmem>>, vector<1x16xf32>,
      %swap3A_234 = arith.index_cast %add3A_214 : i32 to index
      %swap3A_235 = arith.constant 16 : index
      %swap3A_236 = tpu.vector_load %arg10[%swap3A_234, %swap3A_235] {strides = array<i32>} : memref<128x64xf32, #tpu.memory_space<vmem>>, vector<1x16xf32>,
      %swap3A_237 = vector.shape_cast %swap3A_236 : vector<1x16xf32> to vector<16xf32>
      %swap3A_238 = vector.shape_cast %scan3A_227#1 : vector<16xf32> to vector<1x16xf32>
      tpu.vector_store %arg10[%swap3A_234, %swap3A_235], %swap3A_238 {strides = array<i32>} : memref<128x64xf32, #tpu.memory_space<vmem>>, vector<1x16xf32>,
      %swap3A_239 = arith.index_cast %add3A_214 : i32 to index
      %swap3A_240 = arith.constant 32 : index
      %swap3A_241 = tpu.vector_load %arg10[%swap3A_239, %swap3A_240] {strides = array<i32>} : memref<128x64xf32, #tpu.memory_space<vmem>>, vector<1x16xf32>,
      %swap3A_242 = vector.shape_cast %swap3A_241 : vector<1x16xf32> to vector<16xf32>
      %swap3A_243 = vector.shape_cast %scan3A_227#2 : vector<16xf32> to vector<1x16xf32>
      tpu.vector_store %arg10[%swap3A_239, %swap3A_240], %swap3A_243 {strides = array<i32>} : memref<128x64xf32, #tpu.memory_space<vmem>>, vector<1x16xf32>,
      %swap3A_244 = arith.index_cast %add3A_214 : i32 to index
      %swap3A_245 = arith.constant 48 : index
      %swap3A_246 = tpu.vector_load %arg10[%swap3A_244, %swap3A_245] {strides = array<i32>} : memref<128x64xf32, #tpu.memory_space<vmem>>, vector<1x16xf32>,
      %swap3A_247 = vector.shape_cast %swap3A_246 : vector<1x16xf32> to vector<16xf32>
      %swap3A_248 = vector.shape_cast %scan3A_227#3 : vector<16xf32> to vector<1x16xf32>
      tpu.vector_store %arg10[%swap3A_244, %swap3A_245], %swap3A_248 {strides = array<i32>} : memref<128x64xf32, #tpu.memory_space<vmem>>, vector<1x16xf32>,
      %dma_wait3A_249 = arith.constant 0 : i32
      %dma_wait3A_250 = arith.constant 0 : i32
      %dma_wait3A_251 = tpu.memref_slice %arg9[%dma_wait3A_249, %dma_wait3A_250] : memref<200x64xf32, #tpu.memory_space<vmem>> -> memref<120x64xf32, #tpu.memory_space<vmem>>
      %dma_wait3A_252 = arith.constant 0 : i32
      %dma_wait3A_253 = tpu.memref_slice %arg5[%add3A_71, %dma_wait3A_252] : memref<128x200xi32, #tpu.memory_space<vmem>> -> memref<1x120xi32, #tpu.memory_space<vmem>>
      %dma_wait3A_254 = tpu.memref_squeeze %dma_wait3A_253 : memref<1x120xi32, #tpu.memory_space<vmem>> -> memref<120xi32, #tpu.memory_space<vmem>>
      %dma_wait3A_255 = arith.constant 0 : i32
      %dma_wait3A_256 = arith.constant 0 : i32
      %dma_wait3A_257 = tpu.memref_slice %arg3[%dma_wait3A_255, %dma_wait3A_256] : memref<1000000x64xf32, #tpu.memory_space<hbm>> -> memref<1000000x64xf32, #tpu.memory_space<hbm>>
      tpu.wait_indirect_dma semaphore(%arg14 : memref<!tpu.dma_semaphore, #tpu.memory_space<semaphore_mem>>) src(%dma_wait3A_257 : memref<1000000x64xf32, #tpu.memory_space<hbm>>) dst(%dma_wait3A_251 : memref<120x64xf32, #tpu.memory_space<vmem>>)
      %dma_wait3A_258 = arith.constant 120 : i32
      %dma_wait3A_259 = arith.constant 0 : i32
      %dma_wait3A_260 = tpu.memref_slice %arg9[%dma_wait3A_258, %dma_wait3A_259] : memref<200x64xf32, #tpu.memory_space<vmem>> -> memref<80x64xf32, #tpu.memory_space<vmem>>
      %dma_wait3A_261 = arith.constant 120 : i32
      %dma_wait3A_262 = tpu.memref_slice %arg5[%add3A_71, %dma_wait3A_261] : memref<128x200xi32, #tpu.memory_space<vmem>> -> memref<1x80xi32, #tpu.memory_space<vmem>>
      %dma_wait3A_263 = tpu.memref_squeeze %dma_wait3A_262 : memref<1x80xi32, #tpu.memory_space<vmem>> -> memref<80xi32, #tpu.memory_space<vmem>>
      %dma_wait3A_264 = arith.constant 0 : i32
      %dma_wait3A_265 = arith.constant 0 : i32
      %dma_wait3A_266 = tpu.memref_slice %arg3[%dma_wait3A_264, %dma_wait3A_265] : memref<1000000x64xf32, #tpu.memory_space<hbm>> -> memref<1000000x64xf32, #tpu.memory_space<hbm>>
      tpu.wait_indirect_dma semaphore(%arg14 : memref<!tpu.dma_semaphore, #tpu.memory_space<semaphore_mem>>) src(%dma_wait3A_266 : memref<1000000x64xf32, #tpu.memory_space<hbm>>) dst(%dma_wait3A_260 : memref<80x64xf32, #tpu.memory_space<vmem>>)
      %add3A_267 = arith.constant 3 : i32
      %add3A_268 = arith.addi %mul3A_10, %add3A_267 : i32
      %broadcast_in_dim3A_269 = arith.constant 0.000000e+00 : f32
      %broadcast_in_dim3A_270 = vector.broadcast %broadcast_in_dim3A_269 : f32 to vector<16xf32>
      %broadcast_in_dim3A_271 = arith.constant 0.000000e+00 : f32
      %broadcast_in_dim3A_272 = vector.broadcast %broadcast_in_dim3A_271 : f32 to vector<16xf32>
      %broadcast_in_dim3A_273 = arith.constant 0.000000e+00 : f32
      %broadcast_in_dim3A_274 = vector.broadcast %broadcast_in_dim3A_273 : f32 to vector<16xf32>
      %broadcast_in_dim3A_275 = arith.constant 0.000000e+00 : f32
      %broadcast_in_dim3A_276 = vector.broadcast %broadcast_in_dim3A_275 : f32 to vector<16xf32>
      %scan3A_277 = arith.constant 0 : i32
      %scan3A_278 = arith.constant 200 : i32
      %scan3A_279 = arith.addi %scan3A_277, %scan3A_278 : i32
      %scan3A_280 = arith.constant 4 : i32
      %scan3A_281:4 = scf.for %scan3A_303 = %scan3A_277 to %scan3A_279 step %scan3A_280 iter_args(%scan3A_304 = %broadcast_in_dim3A_270, %scan3A_305 = %broadcast_in_dim3A_272, %scan3A_306 = %broadcast_in_dim3A_274, %scan3A_307 = %broadcast_in_dim3A_276) -> (vector<16xf32>, vector<16xf32>, vector<16xf32>, vector<16xf32>)  : i32 {
        %get3A = arith.index_cast %scan3A_303 : i32 to index
        %get3A_308 = arith.constant 0 : index
        %get3A_309 = tpu.vector_load %arg9[%get3A, %get3A_308] {strides = array<i32>} : memref<200x64xf32, #tpu.memory_space<vmem>>, vector<1x16xf32>,
        %get3A_310 = vector.shape_cast %get3A_309 : vector<1x16xf32> to vector<16xf32>
        %add3A_311 = arith.addf %scan3A_304, %get3A_310 : vector<16xf32>
        %get3A_312 = arith.index_cast %scan3A_303 : i32 to index
        %get3A_313 = arith.constant 16 : index
        %get3A_314 = tpu.vector_load %arg9[%get3A_312, %get3A_313] {strides = array<i32>} : memref<200x64xf32, #tpu.memory_space<vmem>>, vector<1x16xf32>,
        %get3A_315 = vector.shape_cast %get3A_314 : vector<1x16xf32> to vector<16xf32>
        %add3A_316 = arith.addf %scan3A_305, %get3A_315 : vector<16xf32>
        %get3A_317 = arith.index_cast %scan3A_303 : i32 to index
        %get3A_318 = arith.constant 32 : index
        %get3A_319 = tpu.vector_load %arg9[%get3A_317, %get3A_318] {strides = array<i32>} : memref<200x64xf32, #tpu.memory_space<vmem>>, vector<1x16xf32>,
        %get3A_320 = vector.shape_cast %get3A_319 : vector<1x16xf32> to vector<16xf32>
        %add3A_321 = arith.addf %scan3A_306, %get3A_320 : vector<16xf32>
        %get3A_322 = arith.index_cast %scan3A_303 : i32 to index
        %get3A_323 = arith.constant 48 : index
        %get3A_324 = tpu.vector_load %arg9[%get3A_322, %get3A_323] {strides = array<i32>} : memref<200x64xf32, #tpu.memory_space<vmem>>, vector<1x16xf32>,
        %get3A_325 = vector.shape_cast %get3A_324 : vector<1x16xf32> to vector<16xf32>
        %add3A_326 = arith.addf %scan3A_307, %get3A_325 : vector<16xf32>
        %scan3A_327 = arith.constant 1 : i32
        %scan3A_328 = arith.addi %scan3A_303, %scan3A_327 : i32
        %get3A_329 = arith.index_cast %scan3A_328 : i32 to index
        %get3A_330 = arith.constant 0 : index
        %get3A_331 = tpu.vector_load %arg9[%get3A_329, %get3A_330] {strides = array<i32>} : memref<200x64xf32, #tpu.memory_space<vmem>>, vector<1x16xf32>,
        %get3A_332 = vector.shape_cast %get3A_331 : vector<1x16xf32> to vector<16xf32>
        %add3A_333 = arith.addf %add3A_311, %get3A_332 : vector<16xf32>
        %get3A_334 = arith.index_cast %scan3A_328 : i32 to index
        %get3A_335 = arith.constant 16 : index
        %get3A_336 = tpu.vector_load %arg9[%get3A_334, %get3A_335] {strides = array<i32>} : memref<200x64xf32, #tpu.memory_space<vmem>>, vector<1x16xf32>,
        %get3A_337 = vector.shape_cast %get3A_336 : vector<1x16xf32> to vector<16xf32>
        %add3A_338 = arith.addf %add3A_316, %get3A_337 : vector<16xf32>
        %get3A_339 = arith.index_cast %scan3A_328 : i32 to index
        %get3A_340 = arith.constant 32 : index
        %get3A_341 = tpu.vector_load %arg9[%get3A_339, %get3A_340] {strides = array<i32>} : memref<200x64xf32, #tpu.memory_space<vmem>>, vector<1x16xf32>,
        %get3A_342 = vector.shape_cast %get3A_341 : vector<1x16xf32> to vector<16xf32>
        %add3A_343 = arith.addf %add3A_321, %get3A_342 : vector<16xf32>
        %get3A_344 = arith.index_cast %scan3A_328 : i32 to index
        %get3A_345 = arith.constant 48 : index
        %get3A_346 = tpu.vector_load %arg9[%get3A_344, %get3A_345] {strides = array<i32>} : memref<200x64xf32, #tpu.memory_space<vmem>>, vector<1x16xf32>,
        %get3A_347 = vector.shape_cast %get3A_346 : vector<1x16xf32> to vector<16xf32>
        %add3A_348 = arith.addf %add3A_326, %get3A_347 : vector<16xf32>
        %scan3A_349 = arith.constant 2 : i32
        %scan3A_350 = arith.addi %scan3A_303, %scan3A_349 : i32
        %get3A_351 = arith.index_cast %scan3A_350 : i32 to index
        %get3A_352 = arith.constant 0 : index
        %get3A_353 = tpu.vector_load %arg9[%get3A_351, %get3A_352] {strides = array<i32>} : memref<200x64xf32, #tpu.memory_space<vmem>>, vector<1x16xf32>,
        %get3A_354 = vector.shape_cast %get3A_353 : vector<1x16xf32> to vector<16xf32>
        %add3A_355 = arith.addf %add3A_333, %get3A_354 : vector<16xf32>
        %get3A_356 = arith.index_cast %scan3A_350 : i32 to index
        %get3A_357 = arith.constant 16 : index
        %get3A_358 = tpu.vector_load %arg9[%get3A_356, %get3A_357] {strides = array<i32>} : memref<200x64xf32, #tpu.memory_space<vmem>>, vector<1x16xf32>,
        %get3A_359 = vector.shape_cast %get3A_358 : vector<1x16xf32> to vector<16xf32>
        %add3A_360 = arith.addf %add3A_338, %get3A_359 : vector<16xf32>
        %get3A_361 = arith.index_cast %scan3A_350 : i32 to index
        %get3A_362 = arith.constant 32 : index
        %get3A_363 = tpu.vector_load %arg9[%get3A_361, %get3A_362] {strides = array<i32>} : memref<200x64xf32, #tpu.memory_space<vmem>>, vector<1x16xf32>,
        %get3A_364 = vector.shape_cast %get3A_363 : vector<1x16xf32> to vector<16xf32>
        %add3A_365 = arith.addf %add3A_343, %get3A_364 : vector<16xf32>
        %get3A_366 = arith.index_cast %scan3A_350 : i32 to index
        %get3A_367 = arith.constant 48 : index
        %get3A_368 = tpu.vector_load %arg9[%get3A_366, %get3A_367] {strides = array<i32>} : memref<200x64xf32, #tpu.memory_space<vmem>>, vector<1x16xf32>,
        %get3A_369 = vector.shape_cast %get3A_368 : vector<1x16xf32> to vector<16xf32>
        %add3A_370 = arith.addf %add3A_348, %get3A_369 : vector<16xf32>
        %scan3A_371 = arith.constant 3 : i32
        %scan3A_372 = arith.addi %scan3A_303, %scan3A_371 : i32
        %get3A_373 = arith.index_cast %scan3A_372 : i32 to index
        %get3A_374 = arith.constant 0 : index
        %get3A_375 = tpu.vector_load %arg9[%get3A_373, %get3A_374] {strides = array<i32>} : memref<200x64xf32, #tpu.memory_space<vmem>>, vector<1x16xf32>,
        %get3A_376 = vector.shape_cast %get3A_375 : vector<1x16xf32> to vector<16xf32>
        %add3A_377 = arith.addf %add3A_355, %get3A_376 : vector<16xf32>
        %get3A_378 = arith.index_cast %scan3A_372 : i32 to index
        %get3A_379 = arith.constant 16 : index
        %get3A_380 = tpu.vector_load %arg9[%get3A_378, %get3A_379] {strides = array<i32>} : memref<200x64xf32, #tpu.memory_space<vmem>>, vector<1x16xf32>,
        %get3A_381 = vector.shape_cast %get3A_380 : vector<1x16xf32> to vector<16xf32>
        %add3A_382 = arith.addf %add3A_360, %get3A_381 : vector<16xf32>
        %get3A_383 = arith.index_cast %scan3A_372 : i32 to index
        %get3A_384 = arith.constant 32 : index
        %get3A_385 = tpu.vector_load %arg9[%get3A_383, %get3A_384] {strides = array<i32>} : memref<200x64xf32, #tpu.memory_space<vmem>>, vector<1x16xf32>,
        %get3A_386 = vector.shape_cast %get3A_385 : vector<1x16xf32> to vector<16xf32>
        %add3A_387 = arith.addf %add3A_365, %get3A_386 : vector<16xf32>
        %get3A_388 = arith.index_cast %scan3A_372 : i32 to index
        %get3A_389 = arith.constant 48 : index
        %get3A_390 = tpu.vector_load %arg9[%get3A_388, %get3A_389] {strides = array<i32>} : memref<200x64xf32, #tpu.memory_space<vmem>>, vector<1x16xf32>,
        %get3A_391 = vector.shape_cast %get3A_390 : vector<1x16xf32> to vector<16xf32>
        %add3A_392 = arith.addf %add3A_370, %get3A_391 : vector<16xf32>
        scf.yield %add3A_377, %add3A_382, %add3A_387, %add3A_392 : vector<16xf32>, vector<16xf32>, vector<16xf32>, vector<16xf32>
      }
      %scan3A_282 = arith.constant 200 : i32
      %swap3A_283 = arith.index_cast %add3A_268 : i32 to index
      %swap3A_284 = arith.constant 0 : index
      %swap3A_285 = tpu.vector_load %arg10[%swap3A_283, %swap3A_284] {strides = array<i32>} : memref<128x64xf32, #tpu.memory_space<vmem>>, vector<1x16xf32>,
      %swap3A_286 = vector.shape_cast %swap3A_285 : vector<1x16xf32> to vector<16xf32>
      %swap3A_287 = vector.shape_cast %scan3A_281#0 : vector<16xf32> to vector<1x16xf32>
      tpu.vector_store %arg10[%swap3A_283, %swap3A_284], %swap3A_287 {strides = array<i32>} : memref<128x64xf32, #tpu.memory_space<vmem>>, vector<1x16xf32>,
      %swap3A_288 = arith.index_cast %add3A_268 : i32 to index
      %swap3A_289 = arith.constant 16 : index
      %swap3A_290 = tpu.vector_load %arg10[%swap3A_288, %swap3A_289] {strides = array<i32>} : memref<128x64xf32, #tpu.memory_space<vmem>>, vector<1x16xf32>,
      %swap3A_291 = vector.shape_cast %swap3A_290 : vector<1x16xf32> to vector<16xf32>
      %swap3A_292 = vector.shape_cast %scan3A_281#1 : vector<16xf32> to vector<1x16xf32>
      tpu.vector_store %arg10[%swap3A_288, %swap3A_289], %swap3A_292 {strides = array<i32>} : memref<128x64xf32, #tpu.memory_space<vmem>>, vector<1x16xf32>,
      %swap3A_293 = arith.index_cast %add3A_268 : i32 to index
      %swap3A_294 = arith.constant 32 : index
      %swap3A_295 = tpu.vector_load %arg10[%swap3A_293, %swap3A_294] {strides = array<i32>} : memref<128x64xf32, #tpu.memory_space<vmem>>, vector<1x16xf32>,
      %swap3A_296 = vector.shape_cast %swap3A_295 : vector<1x16xf32> to vector<16xf32>
      %swap3A_297 = vector.shape_cast %scan3A_281#2 : vector<16xf32> to vector<1x16xf32>
      tpu.vector_store %arg10[%swap3A_293, %swap3A_294], %swap3A_297 {strides = array<i32>} : memref<128x64xf32, #tpu.memory_space<vmem>>, vector<1x16xf32>,
      %swap3A_298 = arith.index_cast %add3A_268 : i32 to index
      %swap3A_299 = arith.constant 48 : index
      %swap3A_300 = tpu.vector_load %arg10[%swap3A_298, %swap3A_299] {strides = array<i32>} : memref<128x64xf32, #tpu.memory_space<vmem>>, vector<1x16xf32>,
      %swap3A_301 = vector.shape_cast %swap3A_300 : vector<1x16xf32> to vector<16xf32>
      %swap3A_302 = vector.shape_cast %scan3A_281#3 : vector<16xf32> to vector<1x16xf32>
      tpu.vector_store %arg10[%swap3A_298, %swap3A_299], %swap3A_302 {strides = array<i32>} : memref<128x64xf32, #tpu.memory_space<vmem>>, vector<1x16xf32>,
    }
    %scan3A_7 = arith.constant 32 : i32
    "tpu.region"() ({
      %run_scoped3A = tpu.sem_alloc : memref<!tpu.dma_semaphore, #tpu.memory_space<semaphore_mem>>
      %dma_start3A = arith.constant 0 : i32
      %dma_start3A_8 = tpu.memref_slice %arg4[%mul3A_2, %dma_start3A] : memref<4096x64xf32, #tpu.memory_space<hbm>> -> memref<128x64xf32, #tpu.memory_space<hbm>>
      %dma_start3A_9 = arith.constant 0 : i32
      %dma_start3A_10 = tpu.memref_slice %arg4[%mul3A_2, %dma_start3A_9] : memref<4096x64xf32, #tpu.memory_space<hbm>> -> memref<128x64xf32, #tpu.memory_space<hbm>>
      tpu.enqueue_dma source(%arg10 : memref<128x64xf32, #tpu.memory_space<vmem>>) target(%dma_start3A_10 : memref<128x64xf32, #tpu.memory_space<hbm>>) target_semaphore(%run_scoped3A : memref<!tpu.dma_semaphore, #tpu.memory_space<semaphore_mem>>)
      %dma_wait3A = arith.constant 0 : i32
      %dma_wait3A_11 = tpu.memref_slice %arg4[%mul3A_2, %dma_wait3A] : memref<4096x64xf32, #tpu.memory_space<hbm>> -> memref<128x64xf32, #tpu.memory_space<hbm>>
      %dma_wait3A_12 = arith.constant 0 : i32
      %dma_wait3A_13 = tpu.memref_slice %arg4[%mul3A_2, %dma_wait3A_12] : memref<4096x64xf32, #tpu.memory_space<hbm>> -> memref<128x64xf32, #tpu.memory_space<hbm>>
      tpu.wait_dma2 semaphore(%run_scoped3A : memref<!tpu.dma_semaphore, #tpu.memory_space<semaphore_mem>>) src(%arg10 : memref<128x64xf32, #tpu.memory_space<vmem>>) dst(%dma_wait3A_13 : memref<128x64xf32, #tpu.memory_space<hbm>>)
      tpu.yield
    }) : () -> ()
    return
  }
}

module attributes {stable_mosaic.version = 14 : i64} {
  func.func @_mlp_body(%arg0: memref<4096x64xf32, #tpu.memory_space<vmem>>, %arg1: memref<64x128xf32, #tpu.memory_space<vmem>>, %arg2: memref<1x128xf32, #tpu.memory_space<vmem>>, %arg3: memref<128x2xf32, #tpu.memory_space<vmem>>, %arg4: memref<1x2xf32, #tpu.memory_space<vmem>>, %arg5: memref<4096x2xf32, #tpu.memory_space<vmem>>) attributes {dimension_semantics = [], scalar_prefetch = 0 : i64, scratch_operands = 0 : i64, tpu.core_type = #tpu.core_type<tc>} {
    %get3A = arith.constant 0 : index
    %get3A_0 = arith.constant 0 : index
    %get3A_1 = vector.load %arg0[%get3A, %get3A_0] : memref<4096x64xf32, #tpu.memory_space<vmem>>, vector<4096x64xf32>
    %get3A_2 = arith.constant 0 : index
    %get3A_3 = arith.constant 0 : index
    %get3A_4 = vector.load %arg1[%get3A_2, %get3A_3] : memref<64x128xf32, #tpu.memory_space<vmem>>, vector<64x128xf32>
    %dot_general3A = arith.constant dense<0.000000e+00> : vector<4096x128xf32>
    %dot_general3A_5 = tpu.matmul %get3A_1, %get3A_4, %dot_general3A {dimension_numbers = #tpu.dot_dimension_numbers<[1], [0], [0], [1], [0, 0, 1, 1], [], []>, transpose_lhs_hint = false} : vector<4096x64xf32>, vector<64x128xf32>, vector<4096x128xf32> -> vector<4096x128xf32>
    %get3A_6 = arith.constant 0 : index
    %get3A_7 = arith.constant 0 : index
    %get3A_8 = vector.load %arg2[%get3A_6, %get3A_7] : memref<1x128xf32, #tpu.memory_space<vmem>>, vector<1x128xf32>
    %add3A = vector.broadcast %get3A_8 : vector<1x128xf32> to vector<4096x128xf32>
    %add3A_9 = arith.addf %dot_general3A_5, %add3A : vector<4096x128xf32>
    %tanh3A = math.tanh %add3A_9 : vector<4096x128xf32>
    %get3A_10 = arith.constant 0 : index
    %get3A_11 = arith.constant 0 : index
    %get3A_12 = vector.load %arg3[%get3A_10, %get3A_11] : memref<128x2xf32, #tpu.memory_space<vmem>>, vector<128x2xf32>
    %dot_general3A_13 = arith.constant dense<0.000000e+00> : vector<4096x2xf32>
    %dot_general3A_14 = tpu.matmul %tanh3A, %get3A_12, %dot_general3A_13 {dimension_numbers = #tpu.dot_dimension_numbers<[1], [0], [0], [1], [0, 0, 1, 1], [], []>, transpose_lhs_hint = false} : vector<4096x128xf32>, vector<128x2xf32>, vector<4096x2xf32> -> vector<4096x2xf32>
    %get3A_15 = arith.constant 0 : index
    %get3A_16 = arith.constant 0 : index
    %get3A_17 = vector.load %arg4[%get3A_15, %get3A_16] : memref<1x2xf32, #tpu.memory_space<vmem>>, vector<1x2xf32>
    %add3A_18 = vector.broadcast %get3A_17 : vector<1x2xf32> to vector<4096x2xf32>
    %add3A_19 = arith.addf %dot_general3A_14, %add3A_18 : vector<4096x2xf32>
    %swap3A = arith.constant 0 : index
    %swap3A_20 = arith.constant 0 : index
    %swap3A_21 = vector.load %arg5[%swap3A, %swap3A_20] : memref<4096x2xf32, #tpu.memory_space<vmem>>, vector<4096x2xf32>
    tpu.vector_store %arg5[%swap3A, %swap3A_20], %add3A_19 {strides = array<i32>} : memref<4096x2xf32, #tpu.memory_space<vmem>>, vector<4096x2xf32>,
    return
  }
}

</mosaic_0001>

<sc_bundles>
// kernel: kernel.4.cloned.1.call-start
scs
__scs_entry_jumppad:
0x0: {  	(pc) =	sbr.rel $0x88, $3  }
0x1: {  	(tag) =	ssettag $0x0;
	lr =	simm.s32 $0x1  }
0x2: {  	[smem:$0x3F9B] =	sst lr;
	_ =	strace $0xD0000000  }
0x3: {  	_ = 	snop  }
0x4: {  	_ = 	snop  }
0x5: {  	_ = 	snop  }
0x6: {  	_ = 	snop  }
0x7: {  	_ = 	snop  }
__scs_overlays_trampoline_lowered:
0x8: {  	[smem:$0x3FAA] =	sst s0  }
0x9: {  	[smem:$0x3FAB] =	sst s1  }
0xa: {  	[smem:$0x3FAC] =	sst s2  }
0xb: {  	[smem:$0x3FAD] =	sst s3  }
0xc: {  	[smem:$0x3FAE] =	sst s4  }
0xd: {  	[smem:$0x3FAF] =	sst s5  }
0xe: {  	[smem:$0x3FB0] =	sst s6  }
0xf: {  	[smem:$0x3FB1] =	sst s7  }
0x10: {  	[smem:$0x3FB2] =	sst s8  }
0x11: {  	[smem:$0x3FB3] =	sst s9;
	s0 =	simm.s32 @!p0 $0x0  }
0x12: {  	s1 =	sld [smem:$0x3F99];
	s0 =	simm.s32 @p0 $0x1  }
0x13: {  	[smem:$0x3FB4] =	sst s0;
	s0 =	simm.s32 @!p1 $0x0  }
0x14: {  	s2 =	sld [smem:$0x3F98];
	s0 =	simm.s32 @p1 $0x1  }
0x15: {  	[smem:$0x3FB5] =	sst s0;
	s0 =	simm.s32 @!p2 $0x0  }
0x16: {  	s3 =	sld [smem:$0x3FDB];
	s0 =	simm.s32 @p2 $0x1  }
0x17: {  	s4 =	simm.s32 $0x1BF5;
	[smem:$0x3FB7] =	sst s0  }
0x18: {  	s0 =	sld [smem:$0x3F9A];
	_ =	swait.ge [sflag:s4], $0x0  }
0x19: {  	s7 =	sld [smem:$0x3F9B]  }
0x1a: {  	s8 =	sadd.s32 $0xFFFFE003, lr  }
0x1b: {  	s9 =	sadd.s32 $0xFFFFFEF7, lr;
	s5 =	simm.s32 $0xFFFFFFFF;
	p2 =	slt.u32 s8, $0xFFFFF086  }
0x1c: {  	p1 =	slt.u32 s9, $0xF7A;
	s5 =	simm.s32 @!p2 $0x0  }
0x1d: {  	s5 =	simm.s32 @p1 $0x1;
	p0 =	seq.s32 s7, s2  }
0x1e: {  	s7 =	smul.u32 @!p0 $0xF7A, s2;
	p2 =	seq.s32 @!p0 s5, $0x0  }
0x1f: {  	s9 =	smul.u32 $0xF7A, s1;
	s8 =	simm.s32 @!p0 $0x1BF5;
	p2 =	por !p2, p0  }
0x20: {  	[sflag:s8] =	ssyncset.s32 @!p0 $0xFFFFF086;
	s6 =	sadd.s32 @!p0 s3, s7;
	s7 =	simm.s32 @!p0 $0x108  }
0x21: {  	s3 =	sadd.s32 s3, s9;
	s6 =	sadd.s32 @!p0 $0x88, s6;
	s7 =	simm.s32 @p2 $0x1082  }
0x22: {  	[simem:s7], [sflag:s8] =	dma.local @!p0 [hbm:s6], $0xF7A  }
0x23: {  	s9 =	sor.u32 $0xD0000000, s2;
	s6 =	simm.s32 $0x108;
	_ =	swait.ge @!p0 [sflag:s8], $0x0  }
0x24: {  	s3 =	sadd.s32 $0x88, s3;
	s6 =	simm.s32 @!p1 $0x1082;
	[sflag:s4] =	ssyncset.s32 $0xFFFFF086  }
0x25: {  	[simem:s6], [sflag:s4] =	dma.local [hbm:s3], $0xF7A  }
0x26: {  	[smem:$0x3F9B] =	sst s1;
	(tag) =	ssettag s2;
	_ =	strace s9  }
0x27: {  	s1 =	sld [smem:$0x3FAB]  }
0x28: {  	s2 =	sld [smem:$0x3FAC]  }
0x29: {  	s4 =	sld [smem:$0x3FAE]  }
0x2a: {  	p0 =	seq.s32 s5, $0x0;
	s5 =	sld [smem:$0x3FAF]  }
0x2b: {  	s6 =	sld [smem:$0x3FB0]  }
0x2c: {  	s7 =	sld [smem:$0x3FB1]  }
0x2d: {  	s3 =	simm.s32 $0x108;
	s8 =	sld [smem:$0x3FB2]  }
0x2e: {  	s3 =	simm.s32 @!p0 $0x1082;
	s9 =	sld [smem:$0x3FB3]  }
0x2f: {  	lr =	sadd.s32 s0, s3;
	s0 =	sld [smem:$0x3FAA]  }
0x30: {  	s3 =	sld [smem:$0x3FAD]  }
0x31: {  	[smem:$0x3FB6] =	sst s10  }
0x32: {  	s10 =	sld [smem:$0x3FB4];
	_ =	sdelay $0x3  }
0x33: {  	p0 =	seq.s32 s10, $0x1;
	s10 =	sld [smem:$0x3FB6];
	_ =	sdelay $0x3  }
0x34: {  	[smem:$0x3FB6] =	sst s10  }
0x35: {  	s10 =	sld [smem:$0x3FB5];
	_ =	sdelay $0x3  }
0x36: {  	p1 =	seq.s32 s10, $0x1;
	s10 =	sld [smem:$0x3FB6];
	_ =	sdelay $0x3  }
0x37: {  	[smem:$0x3FB6] =	sst s10  }
0x38: {  	s10 =	sld [smem:$0x3FB7]  }
0x39: {  	_ = 	snop;
	(pc) =	sbr.ind lr, $3  }
0x3a: {  	_ = 	snop  }
0x3b: {  	_ = 	snop  }
0x3c: {  	p2 =	seq.s32 s10, $0x1;
	s10 =	sld [smem:$0x3FB6]  }
0x3d: {  	_ =	shalt  }
0x3e: {  	_ =	shalt  }
0x3f: {  	_ =	shalt  }
0x40: {  	_ =	shalt  }
0x41: {  	_ =	shalt  }
0x42: {  	_ =	shalt  }
0x43: {  	_ =	shalt  }
0x44: {  	_ =	shalt  }
0x45: {  	_ =	shalt  }
0x46: {  	_ =	shalt  }
0x47: {  	_ =	shalt  }
0x48: {  	_ =	shalt  }
0x49: {  	_ =	shalt  }
0x4a: {  	_ =	shalt  }
0x4b: {  	_ =	shalt  }
0x4c: {  	_ =	shalt  }
0x4d: {  	_ =	shalt  }
0x4e: {  	_ =	shalt  }
0x4f: {  	_ =	shalt  }
0x50: {  	_ =	shalt  }
0x51: {  	_ =	shalt  }
0x52: {  	_ =	shalt  }
0x53: {  	_ =	shalt  }
0x54: {  	_ =	shalt  }
0x55: {  	_ =	shalt  }
0x56: {  	_ =	shalt  }
0x57: {  	_ =	shalt  }
0x58: {  	_ =	shalt  }
0x59: {  	_ =	shalt  }
0x5a: {  	_ =	shalt  }
0x5b: {  	_ =	shalt  }
0x5c: {  	_ =	shalt  }
0x5d: {  	_ =	shalt  }
0x5e: {  	_ =	shalt  }
0x5f: {  	_ =	shalt  }
0x60: {  	_ =	shalt  }
0x61: {  	_ =	shalt  }
0x62: {  	_ =	shalt  }
0x63: {  	_ =	shalt  }
0x64: {  	_ =	shalt  }
0x65: {  	_ =	shalt  }
0x66: {  	_ =	shalt  }
0x67: {  	_ =	shalt  }
0x68: {  	_ =	shalt  }
0x69: {  	_ =	shalt  }
0x6a: {  	_ =	shalt  }
0x6b: {  	_ =	shalt  }
0x6c: {  	_ =	shalt  }
0x6d: {  	_ =	shalt  }
0x6e: {  	_ =	shalt  }
0x6f: {  	_ =	shalt  }
0x70: {  	_ =	shalt  }
0x71: {  	_ =	shalt  }
0x72: {  	_ =	shalt  }
0x73: {  	_ =	shalt  }
0x74: {  	_ =	shalt  }
0x75: {  	_ =	shalt  }
0x76: {  	_ =	shalt  }
0x77: {  	_ =	shalt  }
0x78: {  	_ =	shalt  }
0x79: {  	_ =	shalt  }
0x7a: {  	_ =	shalt  }
0x7b: {  	_ =	shalt  }
0x7c: {  	_ =	shalt  }
0x7d: {  	_ =	shalt  }
0x7e: {  	_ =	shalt  }
0x7f: {  	_ =	shalt  }
0x80: {  	_ =	shalt  }
0x81: {  	_ =	shalt  }
0x82: {  	_ =	shalt  }
0x83: {  	_ =	shalt  }
0x84: {  	_ =	shalt  }
0x85: {  	_ =	shalt  }
0x86: {  	_ =	shalt  }
0x87: {  	_ =	shalt  }
.Lfunc_end0:
.L_simem_size_0:
called_computation_lowered:
.L_overlay_start_0:
0x88: {  	s2 =	sld [smem:$0x3FD9]  }
0x89: {  	s3 =	sld [smem:$0x3FFE];
	_ =	sdelay $0x1  }
0x8a: {  	s1 =	srdreg.scid  }
0x8b: {  	s0 =	sand.u32 $0x1, s1  }
0x8c: {  	s16 =	sshll.u32 s0, $0xA;
	s2 =	sadd.s32 s3, s2  }
0x8d: {  	s2 =	sadd.s32 s2, s16  }
0x8e: {  	[smem:$0x3FC2] =	sst s2  }
0x8f: {  	_ = 	snop  }
0x90: {  	(tm) =	ssettm $0x1  }
0x91: {  	s17 =	sld [smem:$0x3FFB];
	_ =	sdelay $0x3  }
0x92: {  	_ =	strace s17  }
0x93: {  	s2 =	sld [smem:$0x3FFC];
	_ =	sdelay $0x3  }
0x94: {  	_ =	strace s2  }
0x95: {  	s2 =	sld [smem:$0x3FFD];
	_ =	sdelay $0x3  }
0x96: {  	_ =	strace s2  }
0x97: {  	_ =	strace $0x8FFFFFFF  }
0x98: {  	s18 =	sld [smem:$0x3FDB];
	_ =	sdelay $0x1  }
0x99: {  	s19 =	simm.s32 $_scs_section_size  }
0x9a: {  	s4 =	simm.s32 $_size__tile_overlayer_lowered;
	s5 =	simm.s32 $_tile_overlayer_lowered  }
0x9b: {  	s22 =	simm.s32 $0x1BFF;
	s21 =	sshll.u32 s5, $0x1;
	s2 =	sadd.s32 s19, s18  }
0x9c: {  	s6 =	simm.s32 $0x0;
	s20 =	sshll.u32 s4, $0x1;
	s4 =	sadd.s32 s21, s2  }
0x9d: {  	[timem:s6], [sflag:s22] =	dma.local [hbm:s4], s20  }
0x9e: {  	_ =	swait.ge [sflag:s22], s20  }
0x9f: {  	s3 =	ssub.s32 $0x0, s20;
	[sflag:s22] =	ssyncset.done $0x0  }
0xa0: {  	[sflag:s22] =	ssyncadd.s32 s3;
	_ =	sdelay $0x1  }
0xa1: {  	s23 =	simm.s32 $0x1B8B  }
0xa2: {  	_ =	swait.ge [sflag:s23], $0x1  }
0xa3: {  	[sflag:s23] =	ssyncset.done $0x0  }
0xa4: {  	s25 =	simm.s32 $0x1B8E;
	s24 =	sld [smem:$0x3FFE];
	[sflag:s23] =	ssyncadd.s32 $0xFFFFFFFF  }
0xa5: {  	s26 =	simm.s32 $execute0_lowered;
	[smem:$0x3FD2] =	sst s25  }
0xa6: {  	s4 =	sshll.u32 s26, $0x1;
	_ =	strace $0x80000046;
	[dreg:$0x1] =	wrdreg $0xFFFFFFFF  }
0xa7: {  	s28 =	simm.s32 $_size_execute0_lowered;
	s2 =	sadd.s32 s2, s4;
	[dreg:$0x0] =	wrdreg $0x0  }
0xa8: {  	s4 =	sshll.u32 s28, $0x1;
	[dreg:$0x2] =	wrdreg s2  }
0xa9: {  	[dreg:$0x3] =	wrdreg s4  }
0xaa: {  	[dreg:$0x4] =	wrdreg $0xC0  }
0xab: {  	_ =	task [dreg:s6], $0x5FFFF  }
0xac: {  	[dreg:$0x1] =	wrdreg $0xFFFFFFFF  }
0xad: {  	[dreg:$0x0] =	wrdreg $0x60  }
0xae: {  	[dreg:$0x2] =	wrdreg s24  }
0xaf: {  	[dreg:$0x3] =	wrdreg $0x9  }
0xb0: {  	_ =	task.clear_ibuf [dreg:s6], $0x4FFFF;
	_ =	strace $0x90000046  }
0xb1: {  	s29 =	simm.s32 $0x9;
	_ =	strace $0x80000048  }
0xb2: {  	_ =	swait.ge [sflag:s29], $0x1  }
0xb3: {  	[sflag:s29] =	ssyncadd.s32 $0xFFFFFFFF  }
0xb4: {  	_ =	strace $0x90000048  }
0xb5: {  	_ =	sfence  }
0xb6: {  	s30 =	sld [smem:$0x0];
	_ =	sdelay $0x2  }
0xb7: {  	s31 =	sshll.u32 s1, $0xD;
	s1 =	sshrl.u32 s1, $0x2  }
0xb8: {  	s3 =	sand.u32 $0x4000, s31;
	s1 =	sadd.s32 s1, s30  }
0xb9: {  	s0 =	sor.u32 s3, s0;
	s1 =	sshll.u32 s1, $0x11  }
0xba: {  	s0 =	sor.u32 s1, s0  }
0xbb: {  	s0 =	sadd.s32 $0x8F2B, s0  }
0xbc: {  	[sflag:s0] =	ssyncadd.remote.s32 $0x1  }
0xbd: {  	_ =	sfence.sel $0xFFFF  }
0xbe: {  	[dreg:$0x0] =	wrdreg $0xFFFFFFFF;
	(pc) =	sbr.abs _section_cstart, $3  }
0xbf: {  	[dreg:$0x1] =	wrdreg $0xFFFFFFFF  }
0xc0: {  	_ =	task.clear_ibuf [dreg:s6], $0x2FFFF;
	_ =	strace $0x9FFFFFFF  }
0xc1: {  	(tm) =	ssettm $0x7FFFFFFF  }
tec
execute0_lowered:
.L_overlay_start_1:
0x0: {  	(tag) =	ssettag $0x1  }
0x1: {  	s1 =	srdreg.scid  }
0x2: {  	s0 =	stileid.u32;
	s4 =	rddreg [dreg:$0x0]  }
0x3: {  	s2 =	simm.s32 $0x0;
	s8 =	simm.s32 $0x78;
	s9 =	simm.s32 $0x6400  }
0x4: {  	s10 =	simm.s32 $0x50;
	s11 =	simm.s32 $0x8200;
	s12 =	simm.s32 $0x9600  }
0x5: {  	s13 =	simm.s32 $0xB400;
	s14 =	simm.s32 $0xC800;
	s15 =	simm.s32 $0xE600  }
0x6: {  	s16 =	simm.s32 $0xFA00;
	s17 =	simm.s32 $0x11800;
	s18 =	simm.s32 $0x1  }
0x7: {  	s19 =	simm.s32 $0x2;
	s20 =	simm.s32 $0x3;
	s21 =	simm.s32 $0x4  }
0x8: {  	s22 =	simm.s32 $0x12C00;
	s23 =	simm.s32 $0x0;
	s3 =	sand.u32 $0x1, s1  }
0x9: {  	s5 =	sshll.u32 s0, $0x8;
	[smem:$0x7FF] =	sst s2;
	s6 =	sshll.u32 s3, $0x7  }
0xa: {  	s1 =	rddreg [dreg:$0x1];
	_ =	strace $0x80000047;
	s5 =	sor.u32 s6, s5  }
0xb: {  	s7 =	ssub.s32 $0x2, s3;
	s6 =	smul.u32 $0x19, s5;
	s5 =	sshll.u32 s5, $0x3  }
0xc: {  	s3 =	sadd.s32 $0xF43200, s4;
	s31 =	sshrl.u32 s7, $0x1;
	s5 =	sadd.s32 s5, s4  }
0xd: {  	s7 =	ssub.s32 s7, s31;
	s6 =	sadd.s32 s6, s4;
	s5 =	sadd.s32 $0x19E00, s5  }
0xe: {  	s4 =	sadd.s32 $0xE00, s6;
	s6 =	smax.u32 s7, $0x1;
	s7 =	simm.s32 $0x5  }
.LBB2_1:
0xf: {  	[tilespmem:s2], [sflag:$0x5] =	stream.linear.gather [hbm4b:s4+s2], $0x6400, $0x38;
	[tilespmem:$0x14C00] =	vst v63  }
0x10: {  	_ =	swait.ge [sflag:s7], $0x6400  }
0x11: {  	[sflag:s7] =	ssyncset.done $0x0  }
0x12: {  	s24 =	simm.s32 $0x0;
	[sflag:s7] =	ssyncadd.s32 $0xFFFF9C00  }
.LBB2_2:
0x13: {  	s25 =	smul.u32 $0xC80, s24  }
0x14: {  	s26 =	sshll.u32 s24, $0x2  }
0x15: {  	s28 =	sor.u32 $0x1, s26;
	s25 =	sshra.s32 s25, $0x2  }
0x16: {  	[tilespmem:s9], [sflag:$0x1] =	stream.indirect.gather [hbm4b:s3+s8], $0x40, s25, s8, $0xb8;
	[tilespmem:$0x14C00] =	vst v63  }
0x17: {  	s29 =	smul.u32 $0x320, s28;
	s25 =	sadd.s32 $0x78, s25  }
0x18: {  	[tilespmem:s11], [sflag:$0x1] =	stream.indirect.gather [hbm4b:s3+s10], $0x40, s25, s10, $0xb8;
	[tilespmem:$0x14C00] =	vst v63  }
0x19: {  	s26 =	sor.u32 $0x2, s26;
	s31 =	sshra.s32 s29, $0x2  }
0x1a: {  	[tilespmem:s12], [sflag:$0x2] =	stream.indirect.gather [hbm4b:s3+s8], $0x40, s31, s8, $0xb8;
	[tilespmem:$0x14C00] =	vst v63  }
0x1b: {  	s29 =	smul.u32 $0x320, s26;
	s25 =	sadd.s32 $0x78, s31  }
0x1c: {  	[tilespmem:s13], [sflag:$0x2] =	stream.indirect.gather [hbm4b:s3+s10], $0x40, s25, s10, $0xb8;
	[tilespmem:$0x14C00] =	vst v63  }
0x1d: {  	s29 =	sshra.s32 s29, $0x2;
	s25 =	sshllo.u32 s24, $0x2  }
0x1e: {  	[tilespmem:s14], [sflag:$0x3] =	stream.indirect.gather [hbm4b:s3+s8], $0x40, s29, s8, $0xb8;
	[tilespmem:$0x14C00] =	vst v63  }
0x1f: {  	s30 =	smul.u32 $0x320, s25;
	s29 =	sadd.s32 $0x78, s29  }
0x20: {  	[tilespmem:s15], [sflag:$0x3] =	stream.indirect.gather [hbm4b:s3+s10], $0x40, s29, s10, $0xb8;
	[tilespmem:$0x14C00] =	vst v63  }
0x21: {  	s29 =	sshra.s32 s30, $0x2  }
0x22: {  	[tilespmem:s16], [sflag:$0x4] =	stream.indirect.gather [hbm4b:s3+s8], $0x40, s29, s8, $0xb8;
	[tilespmem:$0x14C00] =	vst v63  }
0x23: {  	s29 =	sadd.s32 $0x78, s29  }
0x24: {  	[tilespmem:s17], [sflag:$0x4] =	stream.indirect.gather [hbm4b:s3+s10], $0x40, s29, s10, $0xb8;
	[tilespmem:$0x14C00] =	vst v63  }
0x25: {  	_ =	swait.ge [sflag:s18], $0x1E00  }
0x26: {  	[sflag:s18] =	ssyncset.done $0x0  }
0x27: {  	[sflag:s18] =	ssyncadd.s32 $0xFFFFE200  }
0x28: {  	_ =	swait.ge [sflag:s18], $0x1400  }
0x29: {  	[sflag:s18] =	ssyncset.done $0x0  }
0x2a: {  	s30 =	simm.s32 $0x6480;
	[sflag:s18] =	ssyncadd.s32 $0xFFFFEC00  }
0x2b: {  	v0 =	vld [tilespmem:s30+$0x40]  }
0x2c: {  	v1 =	vld [tilespmem:s30+$0x50]  }
0x2d: {  	v2 =	vld [tilespmem:s30+$0x0]  }
0x2e: {  	v3 =	vld [tilespmem:s30+$0x10]  }
0x2f: {  	v9 =	vld [tilespmem:s30+$0xFFFFFFC0]  }
0x30: {  	v12 =	vld [tilespmem:s30+$0xFFFFFFD0]  }
0x31: {  	v5 =	vld [tilespmem:s30+$0xFFFFFF80]  }
0x32: {  	v6 =	vld [tilespmem:s30+$0xFFFFFF90]  }
0x33: {  	v10 =	vld [tilespmem:s30+$0xFFFFFFA0]  }
0x34: {  	v13 =	vld [tilespmem:s30+$0xFFFFFFB0]  }
0x35: {  	v7 =	vld [tilespmem:s30+$0xFFFFFFE0]  }
0x36: {  	v8 =	vld [tilespmem:s30+$0xFFFFFFF0]  }
0x37: {  	v14 =	vimm.f32 $0.0e+00;
	v4 =	vld [tilespmem:s30+$0x20]  }
0x38: {  	v15 =	vadd.f32 v5, v14;
	v16 =	vadd.f32 v6, v14;
	v6 =	vld [tilespmem:s30+$0x30]  }
0x39: {  	v11 =	vadd.f32 v10, v14;
	v10 =	vadd.f32 v13, v14;
	v5 =	vld [tilespmem:s30+$0x60]  }
0x3a: {  	s29 =	simm.s32 $0x0;
	v13 =	vadd.f32 v9, v15;
	v12 =	vadd.f32 v12, v16;
	v9 =	vld [tilespmem:s30+$0x70];
	s30 =	simm.s32 $0x6580  }
.LBB2_3:
0x3b: {  	v14 =	vld [tilespmem:s30+$0x40];
	v7 =	vadd.f32 v7, v11;
	v8 =	vadd.f32 v8, v10  }
0x3c: {  	v10 =	vld [tilespmem:s30+$0x50];
	v11 =	vadd.f32 v2, v13;
	v12 =	vadd.f32 v3, v12  }
0x3d: {  	v2 =	vld [tilespmem:s30+$0x0];
	v4 =	vadd.f32 v4, v7;
	v6 =	vadd.f32 v6, v8  }
0x3e: {  	v3 =	vld [tilespmem:s30+$0x10];
	v11 =	vadd.f32 v0, v11;
	v12 =	vadd.f32 v1, v12  }
0x3f: {  	v13 =	vld [tilespmem:s30+$0xFFFFFFC0];
	v5 =	vadd.f32 v5, v4;
	v9 =	vadd.f32 v9, v6  }
0x40: {  	v15 =	vld [tilespmem:s30+$0xFFFFFFD0];
	v0 =	vmov v14  }
0x41: {  	v6 =	vld [tilespmem:s30+$0xFFFFFF80];
	v1 =	vmov v10  }
0x42: {  	v10 =	vld [tilespmem:s30+$0xFFFFFF90]  }
0x43: {  	v14 =	vld [tilespmem:s30+$0xFFFFFFA0]  }
0x44: {  	s29 =	sadd.s32 $0x4, s29;
	v16 =	vld [tilespmem:s30+$0xFFFFFFB0]  }
0x45: {  	p0 =	slt.u32 s29, $0xC4;
	v7 =	vld [tilespmem:s30+$0xFFFFFFE0]  }
.Ltmp0:
0x46: {  	v8 =	vld [tilespmem:s30+$0xFFFFFFF0];
	(pc) =	sbr.rel @p0 .LBB2_3-.Ltmp0, $4  }
0x47: {  	v4 =	vld [tilespmem:s30+$0x20]  }
0x48: {  	v17 =	vadd.f32 v6, v11;
	v12 =	vadd.f32 v10, v12;
	v6 =	vld [tilespmem:s30+$0x30]  }
0x49: {  	v11 =	vadd.f32 v14, v5;
	v10 =	vadd.f32 v16, v9;
	v5 =	vld [tilespmem:s30+$0x60]  }
0x4a: {  	v13 =	vadd.f32 v13, v17;
	v12 =	vadd.f32 v15, v12;
	v9 =	vld [tilespmem:s30+$0x70];
	s30 =	sadd.s32 $0x100, s30  }
0x4b: {  	_ = 	snop  }
0x4c: {  	v7 =	vadd.f32 v7, v11;
	v2 =	vadd.f32 v2, v13  }
0x4d: {  	v8 =	vadd.f32 v8, v10;
	v3 =	vadd.f32 v3, v12  }
0x4e: {  	s29 =	sshll.u32 s24, $0x8;
	v4 =	vadd.f32 v4, v7;
	v0 =	vadd.f32 v0, v2  }
0x4f: {  	s29 =	sand.u32 $0x3FFFFF00, s29;
	v2 =	vadd.f32 v6, v8;
	v1 =	vadd.f32 v1, v3  }
0x50: {  	v3 =	vadd.f32 v5, v4;
	[tilespmem:s29+$0x12C00] =	vst v0  }
0x51: {  	v0 =	vadd.f32 v9, v2;
	[tilespmem:s29+$0x12C10] =	vst v1  }
0x52: {  	[tilespmem:s29+$0x12C20] =	vst v3  }
0x53: {  	[tilespmem:s29+$0x12C30] =	vst v0  }
0x54: {  	_ =	swait.ge [sflag:s19], $0x1E00  }
0x55: {  	[sflag:s19] =	ssyncset.done $0x0  }
0x56: {  	[sflag:s19] =	ssyncadd.s32 $0xFFFFE200  }
0x57: {  	_ =	swait.ge [sflag:s19], $0x1400  }
0x58: {  	[sflag:s19] =	ssyncset.done $0x0  }
0x59: {  	s30 =	simm.s32 $0x9680;
	[sflag:s19] =	ssyncadd.s32 $0xFFFFEC00  }
0x5a: {  	v0 =	vld [tilespmem:s30+$0x40]  }
0x5b: {  	v1 =	vld [tilespmem:s30+$0x50]  }
0x5c: {  	v2 =	vld [tilespmem:s30+$0x0]  }
0x5d: {  	v3 =	vld [tilespmem:s30+$0x10]  }
0x5e: {  	v9 =	vld [tilespmem:s30+$0xFFFFFFC0]  }
0x5f: {  	v12 =	vld [tilespmem:s30+$0xFFFFFFD0]  }
0x60: {  	v5 =	vld [tilespmem:s30+$0xFFFFFF80]  }
0x61: {  	v6 =	vld [tilespmem:s30+$0xFFFFFF90]  }
0x62: {  	v10 =	vld [tilespmem:s30+$0xFFFFFFA0]  }
0x63: {  	v13 =	vld [tilespmem:s30+$0xFFFFFFB0]  }
0x64: {  	v7 =	vld [tilespmem:s30+$0xFFFFFFE0]  }
0x65: {  	v8 =	vld [tilespmem:s30+$0xFFFFFFF0]  }
0x66: {  	v14 =	vimm.f32 $0.0e+00;
	v4 =	vld [tilespmem:s30+$0x20]  }
0x67: {  	v15 =	vadd.f32 v5, v14;
	v16 =	vadd.f32 v6, v14;
	v6 =	vld [tilespmem:s30+$0x30]  }
0x68: {  	v11 =	vadd.f32 v10, v14;
	v10 =	vadd.f32 v13, v14;
	v5 =	vld [tilespmem:s30+$0x60]  }
0x69: {  	s29 =	simm.s32 $0x0;
	v13 =	vadd.f32 v9, v15;
	v12 =	vadd.f32 v12, v16;
	v9 =	vld [tilespmem:s30+$0x70];
	s30 =	simm.s32 $0x9780  }
.LBB2_5:
0x6a: {  	v14 =	vld [tilespmem:s30+$0x40];
	v7 =	vadd.f32 v7, v11;
	v8 =	vadd.f32 v8, v10  }
0x6b: {  	v10 =	vld [tilespmem:s30+$0x50];
	v11 =	vadd.f32 v2, v13;
	v12 =	vadd.f32 v3, v12  }
0x6c: {  	v2 =	vld [tilespmem:s30+$0x0];
	v4 =	vadd.f32 v4, v7;
	v6 =	vadd.f32 v6, v8  }
0x6d: {  	v3 =	vld [tilespmem:s30+$0x10];
	v11 =	vadd.f32 v0, v11;
	v12 =	vadd.f32 v1, v12  }
0x6e: {  	v13 =	vld [tilespmem:s30+$0xFFFFFFC0];
	v5 =	vadd.f32 v5, v4;
	v9 =	vadd.f32 v9, v6  }
0x6f: {  	v15 =	vld [tilespmem:s30+$0xFFFFFFD0];
	v0 =	vmov v14  }
0x70: {  	v6 =	vld [tilespmem:s30+$0xFFFFFF80];
	v1 =	vmov v10  }
0x71: {  	v10 =	vld [tilespmem:s30+$0xFFFFFF90]  }
0x72: {  	v14 =	vld [tilespmem:s30+$0xFFFFFFA0]  }
0x73: {  	s29 =	sadd.s32 $0x4, s29;
	v16 =	vld [tilespmem:s30+$0xFFFFFFB0]  }
0x74: {  	p0 =	slt.u32 s29, $0xC4;
	v7 =	vld [tilespmem:s30+$0xFFFFFFE0]  }
.Ltmp1:
0x75: {  	v8 =	vld [tilespmem:s30+$0xFFFFFFF0];
	(pc) =	sbr.rel @p0 .LBB2_5-.Ltmp1, $4  }
0x76: {  	v4 =	vld [tilespmem:s30+$0x20]  }
0x77: {  	v17 =	vadd.f32 v6, v11;
	v12 =	vadd.f32 v10, v12;
	v6 =	vld [tilespmem:s30+$0x30]  }
0x78: {  	v11 =	vadd.f32 v14, v5;
	v10 =	vadd.f32 v16, v9;
	v5 =	vld [tilespmem:s30+$0x60]  }
0x79: {  	v13 =	vadd.f32 v13, v17;
	v12 =	vadd.f32 v15, v12;
	v9 =	vld [tilespmem:s30+$0x70];
	s30 =	sadd.s32 $0x100, s30  }
0x7a: {  	_ = 	snop  }
0x7b: {  	v7 =	vadd.f32 v7, v11;
	v2 =	vadd.f32 v2, v13  }
0x7c: {  	v8 =	vadd.f32 v8, v10;
	v3 =	vadd.f32 v3, v12  }
0x7d: {  	s28 =	sshll.u32 s28, $0x6;
	v4 =	vadd.f32 v4, v7;
	v0 =	vadd.f32 v0, v2  }
0x7e: {  	s28 =	sand.u32 $0x3FFFFFC0, s28;
	v2 =	vadd.f32 v6, v8;
	v1 =	vadd.f32 v1, v3  }
0x7f: {  	v3 =	vadd.f32 v5, v4;
	[tilespmem:s28+$0x12C00] =	vst v0  }
0x80: {  	v0 =	vadd.f32 v9, v2;
	[tilespmem:s28+$0x12C10] =	vst v1  }
0x81: {  	[tilespmem:s28+$0x12C20] =	vst v3  }
0x82: {  	[tilespmem:s28+$0x12C30] =	vst v0  }
0x83: {  	_ =	swait.ge [sflag:s20], $0x1E00  }
0x84: {  	[sflag:s20] =	ssyncset.done $0x0  }
0x85: {  	[sflag:s20] =	ssyncadd.s32 $0xFFFFE200  }
0x86: {  	_ =	swait.ge [sflag:s20], $0x1400  }
0x87: {  	[sflag:s20] =	ssyncset.done $0x0  }
0x88: {  	s29 =	simm.s32 $0xC880;
	[sflag:s20] =	ssyncadd.s32 $0xFFFFEC00  }
0x89: {  	v0 =	vld [tilespmem:s29+$0x40]  }
0x8a: {  	v1 =	vld [tilespmem:s29+$0x50]  }
0x8b: {  	v2 =	vld [tilespmem:s29+$0x0]  }
0x8c: {  	v3 =	vld [tilespmem:s29+$0x10]  }
0x8d: {  	v9 =	vld [tilespmem:s29+$0xFFFFFFC0]  }
0x8e: {  	v12 =	vld [tilespmem:s29+$0xFFFFFFD0]  }
0x8f: {  	v5 =	vld [tilespmem:s29+$0xFFFFFF80]  }
0x90: {  	v6 =	vld [tilespmem:s29+$0xFFFFFF90]  }
0x91: {  	v10 =	vld [tilespmem:s29+$0xFFFFFFA0]  }
0x92: {  	v13 =	vld [tilespmem:s29+$0xFFFFFFB0]  }
0x93: {  	v7 =	vld [tilespmem:s29+$0xFFFFFFE0]  }
0x94: {  	v8 =	vld [tilespmem:s29+$0xFFFFFFF0]  }
0x95: {  	v14 =	vimm.f32 $0.0e+00;
	v4 =	vld [tilespmem:s29+$0x20]  }
0x96: {  	v15 =	vadd.f32 v5, v14;
	v16 =	vadd.f32 v6, v14;
	v6 =	vld [tilespmem:s29+$0x30]  }
0x97: {  	v11 =	vadd.f32 v10, v14;
	v10 =	vadd.f32 v13, v14;
	v5 =	vld [tilespmem:s29+$0x60]  }
0x98: {  	s28 =	simm.s32 $0x0;
	v13 =	vadd.f32 v9, v15;
	v12 =	vadd.f32 v12, v16;
	v9 =	vld [tilespmem:s29+$0x70];
	s29 =	simm.s32 $0xC980  }
.LBB2_7:
0x99: {  	v14 =	vld [tilespmem:s29+$0x40];
	v7 =	vadd.f32 v7, v11;
	v8 =	vadd.f32 v8, v10  }
0x9a: {  	v10 =	vld [tilespmem:s29+$0x50];
	v11 =	vadd.f32 v2, v13;
	v12 =	vadd.f32 v3, v12  }
0x9b: {  	v2 =	vld [tilespmem:s29+$0x0];
	v4 =	vadd.f32 v4, v7;
	v6 =	vadd.f32 v6, v8  }
0x9c: {  	v3 =	vld [tilespmem:s29+$0x10];
	v11 =	vadd.f32 v0, v11;
	v12 =	vadd.f32 v1, v12  }
0x9d: {  	v13 =	vld [tilespmem:s29+$0xFFFFFFC0];
	v5 =	vadd.f32 v5, v4;
	v9 =	vadd.f32 v9, v6  }
0x9e: {  	v15 =	vld [tilespmem:s29+$0xFFFFFFD0];
	v0 =	vmov v14  }
0x9f: {  	v6 =	vld [tilespmem:s29+$0xFFFFFF80];
	v1 =	vmov v10  }
0xa0: {  	v10 =	vld [tilespmem:s29+$0xFFFFFF90]  }
0xa1: {  	v14 =	vld [tilespmem:s29+$0xFFFFFFA0]  }
0xa2: {  	s28 =	sadd.s32 $0x4, s28;
	v16 =	vld [tilespmem:s29+$0xFFFFFFB0]  }
0xa3: {  	p0 =	slt.u32 s28, $0xC4;
	v7 =	vld [tilespmem:s29+$0xFFFFFFE0]  }
.Ltmp2:
0xa4: {  	v8 =	vld [tilespmem:s29+$0xFFFFFFF0];
	(pc) =	sbr.rel @p0 .LBB2_7-.Ltmp2, $4  }
0xa5: {  	v4 =	vld [tilespmem:s29+$0x20]  }
0xa6: {  	v17 =	vadd.f32 v6, v11;
	v12 =	vadd.f32 v10, v12;
	v6 =	vld [tilespmem:s29+$0x30]  }
0xa7: {  	v11 =	vadd.f32 v14, v5;
	v10 =	vadd.f32 v16, v9;
	v5 =	vld [tilespmem:s29+$0x60]  }
0xa8: {  	v13 =	vadd.f32 v13, v17;
	v12 =	vadd.f32 v15, v12;
	v9 =	vld [tilespmem:s29+$0x70];
	s29 =	sadd.s32 $0x100, s29  }
0xa9: {  	_ = 	snop  }
0xaa: {  	v7 =	vadd.f32 v7, v11;
	v2 =	vadd.f32 v2, v13  }
0xab: {  	v8 =	vadd.f32 v8, v10;
	v3 =	vadd.f32 v3, v12  }
0xac: {  	s26 =	sshll.u32 s26, $0x6;
	v4 =	vadd.f32 v4, v7;
	v0 =	vadd.f32 v0, v2  }
0xad: {  	s26 =	sand.u32 $0x3FFFFFC0, s26;
	v2 =	vadd.f32 v6, v8;
	v1 =	vadd.f32 v1, v3  }
0xae: {  	v3 =	vadd.f32 v5, v4;
	[tilespmem:s26+$0x12C00] =	vst v0  }
0xaf: {  	v0 =	vadd.f32 v9, v2;
	[tilespmem:s26+$0x12C10] =	vst v1  }
0xb0: {  	[tilespmem:s26+$0x12C20] =	vst v3  }
0xb1: {  	[tilespmem:s26+$0x12C30] =	vst v0  }
0xb2: {  	_ =	swait.ge [sflag:s21], $0x1E00  }
0xb3: {  	[sflag:s21] =	ssyncset.done $0x0  }
0xb4: {  	[sflag:s21] =	ssyncadd.s32 $0xFFFFE200  }
0xb5: {  	_ =	swait.ge [sflag:s21], $0x1400  }
0xb6: {  	[sflag:s21] =	ssyncset.done $0x0  }
0xb7: {  	s28 =	simm.s32 $0xFA80;
	[sflag:s21] =	ssyncadd.s32 $0xFFFFEC00  }
0xb8: {  	v0 =	vld [tilespmem:s28+$0x40]  }
0xb9: {  	v1 =	vld [tilespmem:s28+$0x50]  }
0xba: {  	v2 =	vld [tilespmem:s28+$0x0]  }
0xbb: {  	v3 =	vld [tilespmem:s28+$0x10]  }
0xbc: {  	v9 =	vld [tilespmem:s28+$0xFFFFFFC0]  }
0xbd: {  	v12 =	vld [tilespmem:s28+$0xFFFFFFD0]  }
0xbe: {  	v5 =	vld [tilespmem:s28+$0xFFFFFF80]  }
0xbf: {  	v6 =	vld [tilespmem:s28+$0xFFFFFF90]  }
0xc0: {  	v10 =	vld [tilespmem:s28+$0xFFFFFFA0]  }
0xc1: {  	v13 =	vld [tilespmem:s28+$0xFFFFFFB0]  }
0xc2: {  	v7 =	vld [tilespmem:s28+$0xFFFFFFE0]  }
0xc3: {  	v8 =	vld [tilespmem:s28+$0xFFFFFFF0]  }
0xc4: {  	v14 =	vimm.f32 $0.0e+00;
	v4 =	vld [tilespmem:s28+$0x20]  }
0xc5: {  	v15 =	vadd.f32 v5, v14;
	v16 =	vadd.f32 v6, v14;
	v6 =	vld [tilespmem:s28+$0x30]  }
0xc6: {  	v11 =	vadd.f32 v10, v14;
	v10 =	vadd.f32 v13, v14;
	v5 =	vld [tilespmem:s28+$0x60]  }
0xc7: {  	s26 =	simm.s32 $0x0;
	v13 =	vadd.f32 v9, v15;
	v12 =	vadd.f32 v12, v16;
	v9 =	vld [tilespmem:s28+$0x70];
	s28 =	simm.s32 $0xFB80  }
.LBB2_9:
0xc8: {  	v14 =	vld [tilespmem:s28+$0x40];
	v7 =	vadd.f32 v7, v11;
	v8 =	vadd.f32 v8, v10  }
0xc9: {  	v10 =	vld [tilespmem:s28+$0x50];
	v11 =	vadd.f32 v2, v13;
	v12 =	vadd.f32 v3, v12  }
0xca: {  	v2 =	vld [tilespmem:s28+$0x0];
	v4 =	vadd.f32 v4, v7;
	v6 =	vadd.f32 v6, v8  }
0xcb: {  	v3 =	vld [tilespmem:s28+$0x10];
	v11 =	vadd.f32 v0, v11;
	v12 =	vadd.f32 v1, v12  }
0xcc: {  	v13 =	vld [tilespmem:s28+$0xFFFFFFC0];
	v5 =	vadd.f32 v5, v4;
	v9 =	vadd.f32 v9, v6  }
0xcd: {  	v15 =	vld [tilespmem:s28+$0xFFFFFFD0];
	v0 =	vmov v14  }
0xce: {  	v6 =	vld [tilespmem:s28+$0xFFFFFF80];
	v1 =	vmov v10  }
0xcf: {  	v10 =	vld [tilespmem:s28+$0xFFFFFF90]  }
0xd0: {  	v14 =	vld [tilespmem:s28+$0xFFFFFFA0]  }
0xd1: {  	s26 =	sadd.s32 $0x4, s26;
	v16 =	vld [tilespmem:s28+$0xFFFFFFB0]  }
0xd2: {  	p0 =	slt.u32 s26, $0xC4;
	v7 =	vld [tilespmem:s28+$0xFFFFFFE0]  }
.Ltmp3:
0xd3: {  	v8 =	vld [tilespmem:s28+$0xFFFFFFF0];
	(pc) =	sbr.rel @p0 .LBB2_9-.Ltmp3, $4  }
0xd4: {  	v4 =	vld [tilespmem:s28+$0x20]  }
0xd5: {  	v17 =	vadd.f32 v6, v11;
	v12 =	vadd.f32 v10, v12;
	v6 =	vld [tilespmem:s28+$0x30]  }
0xd6: {  	v11 =	vadd.f32 v14, v5;
	v10 =	vadd.f32 v16, v9;
	v5 =	vld [tilespmem:s28+$0x60]  }
0xd7: {  	v13 =	vadd.f32 v13, v17;
	v12 =	vadd.f32 v15, v12;
	v9 =	vld [tilespmem:s28+$0x70];
	s28 =	sadd.s32 $0x100, s28  }
0xd8: {  	_ = 	snop  }
0xd9: {  	v7 =	vadd.f32 v7, v11;
	v2 =	vadd.f32 v2, v13  }
0xda: {  	v8 =	vadd.f32 v8, v10;
	s24 =	sadd.s32 $0x1, s24;
	v3 =	vadd.f32 v3, v12  }
0xdb: {  	s25 =	sshll.u32 s25, $0x6;
	p0 =	sne.s32 s24, $0x20;
	v4 =	vadd.f32 v4, v7;
	v0 =	vadd.f32 v0, v2  }
.Ltmp4:
0xdc: {  	s25 =	sand.u32 $0x3FFFFFC0, s25;
	v61 =	vadd.f32 v6, v8;
	v1 =	vadd.f32 v1, v3;
	(pc) =	sbr.rel @p0 .LBB2_2-.Ltmp4, $4  }
0xdd: {  	v62 =	vadd.f32 v5, v4;
	[tilespmem:s25+$0x12C00] =	vst v0  }
0xde: {  	v63 =	vadd.f32 v9, v61;
	[tilespmem:s25+$0x12C10] =	vst v1  }
0xdf: {  	[tilespmem:s25+$0x12C20] =	vst v62  }
0xe0: {  	[tilespmem:s25+$0x12C30] =	vst v63  }
0xe1: {  	s23 =	sadd.s32 $0x1, s23  }
0xe2: {  	p0 =	sne.s32 s23, s6  }
.Ltmp5:
0xe3: {  	_ = 	snop;
	(pc) =	sbr.rel @p0 .LBB2_1-.Ltmp5, $4  }
0xe4: {  	[hbm4b:s5+s2] =	stream.linear.scatter [tilespmem:s22], [sflag:$0x5], $0x2000, $0x38;
	[tilespmem:$0x14C00] =	vst v63  }
0xe5: {  	_ =	swait.ge [sflag:s7], $0x2000  }
0xe6: {  	[sflag:s7] =	ssyncset.done $0x0  }
0xe7: {  	[sflag:s7] =	ssyncadd.s32 $0xFFFFE000  }
0xe8: {  	_ =	sfence.sel $0x180000  }
0xe9: {  	[bflag:$0x0] =	sbarrier.arrive $0xFFFF  }
0xea: {  	p0 =	sne.s32 s0, $0x0;
	_ =	strace $0x90000047  }
0xeb: {  	s0 =	sadd.s32 @!p0 $0x100000, s1;
	[bflag:$0x2] =	sbarrier.arrive $0xFFFF  }
0xec: {  	[sflag:s0] =	ssyncadd.tile.s32 @!p0 $0x1;
	_ =	shalt  }
.Lfunc_end2:
_tile_overlayer_lowered:
.L_overlay_start_2:
0xed: {  	(tag) =	ssettag $0x2  }
0xee: {  	s0 =	rddreg [dreg:$0x0];
	s2 =	stileid.u32  }
0xef: {  	s1 =	rddreg [dreg:$0x1];
	p0 =	sne.s32 s2, $0x0  }
0xf0: {  	s3 =	rddreg [dreg:$0x2];
	[bflag:$0x3] =	sbarrier.arrive $0xFFFF;
	s2 =	simm.s32 @!p0 $0x1C05  }
0xf1: {  	[timem:s3], [sflag:s2] =	dma.local @!p0 [hbm:s0], s1  }
0xf2: {  	s0 =	simm.s32 @!p0 $0x5  }
0xf3: {  	_ =	swait.ge @!p0 [sflag:s0], s1  }
0xf4: {  	s1 =	ssub.s32 @!p0 $0x0, s1;
	[sflag:s0] =	ssyncset.done @!p0 $0x0  }
0xf5: {  	[sflag:s0] =	ssyncadd.s32 @!p0 s1  }
0xf6: {  	[bflag:$0x3] =	sbarrier.arrive $0xFFFF  }
0xf7: {  	_ =	shalt  }

</sc_bundles>
